<compile_context>
chip_gen: v7x
topology: tpu7x:2x2x1
jax: 0.10.2.dev20260603
libtpu: 0.0.44.dev20260713+nightly
codegen_flags: <defaults>
</compile_context>

<pallas_src>
import functools

import jax
import jax.numpy as jnp
from jax import lax
from jax.experimental import pallas as pl
from jax.experimental.pallas import tpu as pltpu
from jax.experimental.pallas import tpu_sc as plsc

BATCH = 16384
NUM_FIELDS = 4
ATTR_DIM = 64
VOCAB = 1000

_info = plsc.get_sparse_core_info()
NC, NS, L = _info.num_cores, _info.num_subcores, _info.num_lanes
NW = NC * NS
BW = BATCH // NW
CHUNK = 512
NCHUNK = BW // CHUNK
NSTEP = NUM_FIELDS * NCHUNK
NBUF = 3

_mesh = plsc.VectorSubcoreMesh(core_axis_name="c", subcore_axis_name="s")


@functools.partial(
    pl.kernel,
    mesh=_mesh,
    compiler_params=pltpu.CompilerParams(use_tc_tiling_on_sc=False),
    out_type=jax.ShapeDtypeStruct((BATCH // 8, 2, 8, 128), jnp.float32),
    scratch_types=[
        pltpu.VMEM((NSTEP, CHUNK), jnp.int32),
        pltpu.VMEM((NBUF, CHUNK, ATTR_DIM), jnp.float32),
        pltpu.SemaphoreType.DMA,
        pltpu.SemaphoreType.DMA((NBUF,)),
        pltpu.SemaphoreType.DMA((NBUF,)),
    ],
)
def _co_embed(idx, wall, out, idx_v, rows, isem, gsem, osem):
    wid = lax.axis_index("s") * NC + lax.axis_index("c")
    base = wid * BW

    def idx_src(k):
        f = k // NCHUNK
        c = lax.rem(k, NCHUNK) if not isinstance(k, int) else k % NCHUNK
        return idx.at[pl.ds(f * BATCH + base + c * CHUNK, CHUNK)]

    def stage(k, _):
        pltpu.async_copy(idx_src(k), idx_v.at[k], isem)
        return _

    def stage_wait(k, _):
        pltpu.make_async_copy(idx_src(k), idx_v.at[k], isem).wait()
        return _

    lax.fori_loop(0, NSTEP, stage, 0)

    def slot(k):
        return k % NBUF if isinstance(k, int) else lax.rem(k, NBUF)

    def gather(k):
        stage_wait(k, 0)
        pltpu.async_copy(wall.at[idx_v.at[k]], rows.at[slot(k)],
                         gsem.at[slot(k)])

    def gather_wait(k):
        pltpu.make_async_copy(wall.at[idx_v.at[k]], rows.at[slot(k)],
                              gsem.at[slot(k)]).wait()

    def wb_dst(k, t):
        f = k // NCHUNK
        c = lax.rem(k, NCHUNK) if not isinstance(k, int) else k % NCHUNK
        tile0 = (base + c * CHUNK) // 8
        return out.at[tile0 + t, f // 2, :,
                      pl.ds((f % 2) * ATTR_DIM, ATTR_DIM)]

    def writeback(k):
        def body(t, _):
            pltpu.async_copy(rows.at[slot(k), pl.ds(t * 8, 8)],
                             wb_dst(k, t), osem.at[slot(k)])
            return _
        lax.fori_loop(0, CHUNK // 8, body, 0)

    def writeback_wait(k):
        def body(t, _):
            pltpu.make_async_copy(rows.at[slot(k), pl.ds(t * 8, 8)],
                                  wb_dst(k, t), osem.at[slot(k)]).wait()
            return _
        lax.fori_loop(0, CHUNK // 8, body, 0)

    def pipe(k, _):
        @pl.when(k >= NBUF)
        def _w():
            writeback_wait(k - NBUF)
        gather(k)

        @pl.when(k >= NBUF - 1)
        def _g():
            gather_wait(k - (NBUF - 1))
            writeback(k - (NBUF - 1))
        return _

    lax.fori_loop(0, NSTEP, pipe, 0)
    for j in range(NSTEP - NBUF + 1, NSTEP):
        gather_wait(j)
        writeback(j)
    for j in range(NSTEP - NBUF, NSTEP):
        writeback_wait(j)


def kernel(inputs, W0, W1, W2, W3):
    wall = jnp.concatenate([W0, W1, W2, W3], axis=0)
    shifted = inputs + jnp.arange(NUM_FIELDS, dtype=inputs.dtype) * VOCAB
    out4 = _co_embed(shifted.T.reshape(-1), wall)
    return out4.transpose(0, 2, 1, 3).reshape(BATCH, NUM_FIELDS * ATTR_DIM)

# --- scband reference (transcript-rebuilt; emitter-appended) ---
"""Pipeline reference for scband-co-embedding-81595788690000 (READ-ONLY COPY).

The authoritative reference and input builder live on the scoring server;
editing this copy changes nothing except your own understanding.
"""

import jax, jax.numpy as jnp
import numpy as np

BATCH = 16384
NUM_FIELDS = 4
VOCAB = 1000
ATTR_DIM = 64


def setup_inputs(seed: int = 0) -> dict:
    key = jax.random.key(seed)
    ks = jax.random.split(key, NUM_FIELDS + 1)
    inp = {
        "inputs": jax.random.randint(ks[0], (BATCH, NUM_FIELDS), 0, VOCAB, dtype=jnp.int32),
    }
    for i in range(NUM_FIELDS):
        W = jax.random.normal(ks[i + 1], (VOCAB, ATTR_DIM), dtype=jnp.float32) * 0.02
        # emulate padding_idx=0 row initialized to zero (torch nn.Embedding padding_idx)
        W = W.at[0].set(0.0)
        inp[f"W{i}"] = W
    return inp


def reference(inputs, W0, W1, W2, W3):
    tables = [W0, W1, W2, W3]
    emb_states = []
    for i, W in enumerate(tables):
        e = jnp.take(W, inputs[:, i], axis=0)
        emb_states.append(e)
    state = jnp.concatenate(emb_states, axis=-1)
    return state

if __name__ == "__main__":
    import jax
    _d = setup_inputs()
    print(jax.jit(kernel)(*tuple(_d.values())))

</pallas_src>

<mosaic_0001>
#map = affine_map<(d0, d1) -> (0)>
#map1 = affine_map<(d0, d1) -> (0, 0)>
#map2 = affine_map<(d0, d1) -> (0, 0, 0, 0)>
module attributes {stable_mosaic.version = 14 : i64} {
  func.func @_co_embed(%arg0: i32, %arg1: i32, %arg2: memref<65536xi32, #tpu.memory_space<hbm>>, %arg3: memref<4000x64xf32, #tpu.memory_space<hbm>>, %arg4: memref<2048x2x8x128xf32, #tpu.memory_space<hbm>>, %arg5: memref<4x512xi32, #tpu.memory_space<vmem>>, %arg6: memref<3x512x64xf32, #tpu.memory_space<vmem>>, %arg7: memref<!tpu.dma_semaphore, #tpu.memory_space<semaphore_mem>>, %arg8: memref<3x!tpu.dma_semaphore, #tpu.memory_space<semaphore_mem>>, %arg9: memref<3x!tpu.dma_semaphore, #tpu.memory_space<semaphore_mem>>) attributes {dimension_semantics = [#tpu.dimension_semantics<core_parallel>, #tpu.dimension_semantics<subcore_parallel>], iteration_bounds = array<i64: 2, 16>, scalar_prefetch = 0 : i64, scratch_operands = 5 : i64, tpu.core_type = #tpu.core_type<sc_vector_subcore>, window_params = [{transform_indices = #map}, {transform_indices = #map1}, {transform_indices = #map2}]} {
    %mul3A = arith.constant 2 : i32
    %mul3A_0 = arith.muli %arg1, %mul3A : i32
    %add3A = arith.addi %mul3A_0, %arg0 : i32
    %mul3A_1 = arith.constant 512 : i32
    %mul3A_2 = arith.muli %add3A, %mul3A_1 : i32
    %scan3A = arith.constant 0 : i32
    %scan3A_3 = arith.constant 0 : i32
    %scan3A_4 = arith.constant 4 : i32
    %scan3A_5 = arith.addi %scan3A_3, %scan3A_4 : i32
    %scan3A_6 = arith.constant 1 : i32
    scf.for %scan3A_73 = %scan3A_3 to %scan3A_5 step %scan3A_6  : i32 {
      %jit3A = arith.constant 1 : i32
      %div3A = arith.divsi %scan3A_73, %jit3A : i32
      %sign3A = arith.constant 0 : i32
      %sign3A_74 = arith.cmpi sgt, %scan3A_73, %sign3A : i32
      %sign3A_75 = arith.extui %sign3A_74 : i1 to i32
      %sign3A_76 = arith.constant 0 : i32
      %sign3A_77 = arith.cmpi slt, %scan3A_73, %sign3A_76 : i32
      %sign3A_78 = arith.extui %sign3A_77 : i1 to i32
      %sign3A_79 = arith.subi %sign3A_75, %sign3A_78 : i32
      %sign3A_80 = arith.constant 0 : i32
      %sign3A_81 = arith.cmpi sgt, %jit3A, %sign3A_80 : i32
      %sign3A_82 = arith.extui %sign3A_81 : i1 to i32
      %sign3A_83 = arith.constant 0 : i32
      %sign3A_84 = arith.cmpi slt, %jit3A, %sign3A_83 : i32
      %sign3A_85 = arith.extui %sign3A_84 : i1 to i32
      %sign3A_86 = arith.subi %sign3A_82, %sign3A_85 : i32
      %ne3A = arith.cmpi ne, %sign3A_79, %sign3A_86 : i32
      %rem3A = arith.remsi %scan3A_73, %jit3A : i32
      %ne3A_87 = arith.constant 0 : i32
      %ne3A_88 = arith.cmpi ne, %rem3A, %ne3A_87 : i32
      %and3A = arith.andi %ne3A, %ne3A_88 : i1
      %sub3A = arith.constant 1 : i32
      %sub3A_89 = arith.subi %div3A, %sub3A : i32
      %select_n3A = arith.select %and3A, %sub3A_89, %div3A : i32
      %rem3A_90 = arith.constant 1 : i32
      %rem3A_91 = arith.remsi %scan3A_73, %rem3A_90 : i32
      %mul3A_92 = arith.constant 16384 : i32
      %mul3A_93 = arith.muli %select_n3A, %mul3A_92 : i32
      %add3A_94 = arith.addi %mul3A_93, %mul3A_2 : i32
      %mul3A_95 = arith.constant 512 : i32
      %mul3A_96 = arith.muli %rem3A_91, %mul3A_95 : i32
      %add3A_97 = arith.addi %add3A_94, %mul3A_96 : i32
      %dma_start3A = arith.constant 0 : i32
      %dma_start3A_98 = tpu.memref_slice %arg5[%scan3A_73, %dma_start3A] : memref<4x512xi32, #tpu.memory_space<vmem>> -> memref<1x512xi32, #tpu.memory_space<vmem>>
      %dma_start3A_99 = tpu.memref_squeeze %dma_start3A_98 : memref<1x512xi32, #tpu.memory_space<vmem>> -> memref<512xi32, #tpu.memory_space<vmem>>
      %dma_start3A_100 = tpu.memref_slice %arg2[%add3A_97] : memref<65536xi32, #tpu.memory_space<hbm>> -> memref<512xi32, #tpu.memory_space<hbm>>
      %dma_start3A_101 = arith.constant 0 : i32
      %dma_start3A_102 = tpu.memref_slice %arg5[%scan3A_73, %dma_start3A_101] : memref<4x512xi32, #tpu.memory_space<vmem>> -> memref<1x512xi32, #tpu.memory_space<vmem>>
      %dma_start3A_103 = tpu.memref_squeeze %dma_start3A_102 : memref<1x512xi32, #tpu.memory_space<vmem>> -> memref<512xi32, #tpu.memory_space<vmem>>
      %dma_start3A_104 = tpu.memref_slice %arg2[%add3A_97] : memref<65536xi32, #tpu.memory_space<hbm>> -> memref<512xi32, #tpu.memory_space<hbm>>
      tpu.enqueue_dma source(%dma_start3A_104 : memref<512xi32, #tpu.memory_space<hbm>>) target(%dma_start3A_103 : memref<512xi32, #tpu.memory_space<vmem>>) target_semaphore(%arg7 : memref<!tpu.dma_semaphore, #tpu.memory_space<semaphore_mem>>)
    }
    %scan3A_7 = arith.constant 4 : i32
    %scan3A_8 = arith.constant 0 : i32
    %scan3A_9 = arith.constant 0 : i32
    %scan3A_10 = arith.constant 4 : i32
    %scan3A_11 = arith.addi %scan3A_9, %scan3A_10 : i32
    %scan3A_12 = arith.constant 1 : i32
    scf.for %scan3A_73 = %scan3A_9 to %scan3A_11 step %scan3A_12  : i32 {
      %ge3A = arith.constant 3 : i32
      %ge3A_74 = arith.cmpi sge, %scan3A_73, %ge3A : i32
      %convert_element_type3A = arith.extui %ge3A_74 : i1 to i32
      %cond3A = arith.constant 0 : i32
      %cond3A_75 = arith.cmpi ne, %convert_element_type3A, %cond3A : i32
      scf.if %cond3A_75 {
        %sub3A_128 = arith.constant 3 : i32
        %sub3A_129 = arith.subi %scan3A_73, %sub3A_128 : i32
        %scan3A_130 = arith.constant 0 : i32
        %scan3A_131 = arith.constant 0 : i32
        %scan3A_132 = arith.constant 64 : i32
        %scan3A_133 = arith.addi %scan3A_131, %scan3A_132 : i32
        %scan3A_134 = arith.constant 1 : i32
        scf.for %scan3A_136 = %scan3A_131 to %scan3A_133 step %scan3A_134  : i32 {
          %rem3A_137 = arith.constant 3 : i32
          %rem3A_138 = arith.remsi %sub3A_129, %rem3A_137 : i32
          %mul3A_139 = arith.constant 8 : i32
          %mul3A_140 = arith.muli %scan3A_136, %mul3A_139 : i32
          %jit3A_141 = arith.constant 1 : i32
          %div3A_142 = arith.divsi %sub3A_129, %jit3A_141 : i32
          %sign3A_143 = arith.constant 0 : i32
          %sign3A_144 = arith.cmpi sgt, %sub3A_129, %sign3A_143 : i32
          %sign3A_145 = arith.extui %sign3A_144 : i1 to i32
          %sign3A_146 = arith.constant 0 : i32
          %sign3A_147 = arith.cmpi slt, %sub3A_129, %sign3A_146 : i32
          %sign3A_148 = arith.extui %sign3A_147 : i1 to i32
          %sign3A_149 = arith.subi %sign3A_145, %sign3A_148 : i32
          %sign3A_150 = arith.constant 0 : i32
          %sign3A_151 = arith.cmpi sgt, %jit3A_141, %sign3A_150 : i32
          %sign3A_152 = arith.extui %sign3A_151 : i1 to i32
          %sign3A_153 = arith.constant 0 : i32
          %sign3A_154 = arith.cmpi slt, %jit3A_141, %sign3A_153 : i32
          %sign3A_155 = arith.extui %sign3A_154 : i1 to i32
          %sign3A_156 = arith.subi %sign3A_152, %sign3A_155 : i32
          %ne3A_157 = arith.cmpi ne, %sign3A_149, %sign3A_156 : i32
          %rem3A_158 = arith.remsi %sub3A_129, %jit3A_141 : i32
          %ne3A_159 = arith.constant 0 : i32
          %ne3A_160 = arith.cmpi ne, %rem3A_158, %ne3A_159 : i32
          %and3A_161 = arith.andi %ne3A_157, %ne3A_160 : i1
          %sub3A_162 = arith.constant 1 : i32
          %sub3A_163 = arith.subi %div3A_142, %sub3A_162 : i32
          %select_n3A_164 = arith.select %and3A_161, %sub3A_163, %div3A_142 : i32
          %rem3A_165 = arith.constant 1 : i32
          %rem3A_166 = arith.remsi %sub3A_129, %rem3A_165 : i32
          %mul3A_167 = arith.constant 512 : i32
          %mul3A_168 = arith.muli %rem3A_166, %mul3A_167 : i32
          %add3A_169 = arith.addi %mul3A_2, %mul3A_168 : i32
          %jit3A_170 = arith.constant 8 : i32
          %div3A_171 = arith.divsi %add3A_169, %jit3A_170 : i32
          %sign3A_172 = arith.constant 0 : i32
          %sign3A_173 = arith.cmpi sgt, %add3A_169, %sign3A_172 : i32
          %sign3A_174 = arith.extui %sign3A_173 : i1 to i32
          %sign3A_175 = arith.constant 0 : i32
          %sign3A_176 = arith.cmpi slt, %add3A_169, %sign3A_175 : i32
          %sign3A_177 = arith.extui %sign3A_176 : i1 to i32
          %sign3A_178 = arith.subi %sign3A_174, %sign3A_177 : i32
          %sign3A_179 = arith.constant 0 : i32
          %sign3A_180 = arith.cmpi sgt, %jit3A_170, %sign3A_179 : i32
          %sign3A_181 = arith.extui %sign3A_180 : i1 to i32
          %sign3A_182 = arith.constant 0 : i32
          %sign3A_183 = arith.cmpi slt, %jit3A_170, %sign3A_182 : i32
          %sign3A_184 = arith.extui %sign3A_183 : i1 to i32
          %sign3A_185 = arith.subi %sign3A_181, %sign3A_184 : i32
          %ne3A_186 = arith.cmpi ne, %sign3A_178, %sign3A_185 : i32
          %rem3A_187 = arith.remsi %add3A_169, %jit3A_170 : i32
          %ne3A_188 = arith.constant 0 : i32
          %ne3A_189 = arith.cmpi ne, %rem3A_187, %ne3A_188 : i32
          %and3A_190 = arith.andi %ne3A_186, %ne3A_189 : i1
          %sub3A_191 = arith.constant 1 : i32
          %sub3A_192 = arith.subi %div3A_171, %sub3A_191 : i32
          %select_n3A_193 = arith.select %and3A_190, %sub3A_192, %div3A_171 : i32
          %add3A_194 = arith.addi %select_n3A_193, %scan3A_136 : i32
          %jit3A_195 = arith.constant 2 : i32
          %div3A_196 = arith.divsi %select_n3A_164, %jit3A_195 : i32
          %sign3A_197 = arith.constant 0 : i32
          %sign3A_198 = arith.cmpi sgt, %select_n3A_164, %sign3A_197 : i32
          %sign3A_199 = arith.extui %sign3A_198 : i1 to i32
          %sign3A_200 = arith.constant 0 : i32
          %sign3A_201 = arith.cmpi slt, %select_n3A_164, %sign3A_200 : i32
          %sign3A_202 = arith.extui %sign3A_201 : i1 to i32
          %sign3A_203 = arith.subi %sign3A_199, %sign3A_202 : i32
          %sign3A_204 = arith.constant 0 : i32
          %sign3A_205 = arith.cmpi sgt, %jit3A_195, %sign3A_204 : i32
          %sign3A_206 = arith.extui %sign3A_205 : i1 to i32
          %sign3A_207 = arith.constant 0 : i32
          %sign3A_208 = arith.cmpi slt, %jit3A_195, %sign3A_207 : i32
          %sign3A_209 = arith.extui %sign3A_208 : i1 to i32
          %sign3A_210 = arith.subi %sign3A_206, %sign3A_209 : i32
          %ne3A_211 = arith.cmpi ne, %sign3A_203, %sign3A_210 : i32
          %rem3A_212 = arith.remsi %select_n3A_164, %jit3A_195 : i32
          %ne3A_213 = arith.constant 0 : i32
          %ne3A_214 = arith.cmpi ne, %rem3A_212, %ne3A_213 : i32
          %and3A_215 = arith.andi %ne3A_211, %ne3A_214 : i1
          %sub3A_216 = arith.constant 1 : i32
          %sub3A_217 = arith.subi %div3A_196, %sub3A_216 : i32
          %select_n3A_218 = arith.select %and3A_215, %sub3A_217, %div3A_196 : i32
          %jit3A_219 = arith.constant 2 : i32
          %eq3A = arith.constant 0 : i32
          %eq3A_220 = arith.cmpi eq, %jit3A_219, %eq3A : i32
          %jit3A_221 = arith.constant 1 : i32
          %select_n3A_222 = arith.select %eq3A_220, %jit3A_221, %jit3A_219 : i32
          %rem3A_223 = arith.remsi %select_n3A_164, %select_n3A_222 : i32
          %ne3A_224 = arith.constant 0 : i32
          %ne3A_225 = arith.cmpi ne, %rem3A_223, %ne3A_224 : i32
          %lt3A = arith.constant 0 : i32
          %lt3A_226 = arith.cmpi slt, %rem3A_223, %lt3A : i32
          %lt3A_227 = arith.constant 0 : i32
          %lt3A_228 = arith.cmpi slt, %select_n3A_222, %lt3A_227 : i32
          %ne3A_229 = arith.xori %lt3A_226, %lt3A_228 : i1
          %and3A_230 = arith.andi %ne3A_229, %ne3A_225 : i1
          %add3A_231 = arith.addi %rem3A_223, %select_n3A_222 : i32
          %select_n3A_232 = arith.select %and3A_230, %add3A_231, %rem3A_223 : i32
          %mul3A_233 = arith.constant 64 : i32
          %mul3A_234 = arith.muli %select_n3A_232, %mul3A_233 : i32
          %rem3A_235 = arith.constant 3 : i32
          %rem3A_236 = arith.remsi %sub3A_129, %rem3A_235 : i32
          %dma_wait3A_237 = arith.constant 0 : i32
          %dma_wait3A_238 = tpu.memref_slice %arg6[%rem3A_138, %mul3A_140, %dma_wait3A_237] : memref<3x512x64xf32, #tpu.memory_space<vmem>> -> memref<1x8x64xf32, #tpu.memory_space<vmem>>
          %dma_wait3A_239 = tpu.memref_squeeze %dma_wait3A_238 : memref<1x8x64xf32, #tpu.memory_space<vmem>> -> memref<8x64xf32, #tpu.memory_space<vmem>>
          %dma_wait3A_240 = arith.constant 0 : i32
          %dma_wait3A_241 = tpu.memref_slice %arg4[%add3A_194, %select_n3A_218, %dma_wait3A_240, %mul3A_234] : memref<2048x2x8x128xf32, #tpu.memory_space<hbm>> -> memref<1x1x8x64xf32, #tpu.memory_space<hbm>>
          %dma_wait3A_242 = tpu.memref_squeeze %dma_wait3A_241 : memref<1x1x8x64xf32, #tpu.memory_space<hbm>> -> memref<8x64xf32, #tpu.memory_space<hbm>>
          %dma_wait3A_243 = tpu.memref_slice %arg9[%rem3A_236] : memref<3x!tpu.dma_semaphore, #tpu.memory_space<semaphore_mem>> -> memref<1x!tpu.dma_semaphore, #tpu.memory_space<semaphore_mem>>
          %dma_wait3A_244 = tpu.memref_squeeze %dma_wait3A_243 : memref<1x!tpu.dma_semaphore, #tpu.memory_space<semaphore_mem>> -> memref<!tpu.dma_semaphore, #tpu.memory_space<semaphore_mem>>
          %dma_wait3A_245 = arith.constant 0 : i32
          %dma_wait3A_246 = tpu.memref_slice %arg4[%add3A_194, %select_n3A_218, %dma_wait3A_245, %mul3A_234] : memref<2048x2x8x128xf32, #tpu.memory_space<hbm>> -> memref<1x1x8x64xf32, #tpu.memory_space<hbm>>
          %dma_wait3A_247 = tpu.memref_squeeze %dma_wait3A_246 : memref<1x1x8x64xf32, #tpu.memory_space<hbm>> -> memref<8x64xf32, #tpu.memory_space<hbm>>
          %dma_wait3A_248 = arith.constant 0 : i32
          %dma_wait3A_249 = tpu.memref_slice %arg6[%rem3A_138, %mul3A_140, %dma_wait3A_248] : memref<3x512x64xf32, #tpu.memory_space<vmem>> -> memref<1x8x64xf32, #tpu.memory_space<vmem>>
          %dma_wait3A_250 = tpu.memref_squeeze %dma_wait3A_249 : memref<1x8x64xf32, #tpu.memory_space<vmem>> -> memref<8x64xf32, #tpu.memory_space<vmem>>
          tpu.wait_dma2 semaphore(%dma_wait3A_244 : memref<!tpu.dma_semaphore, #tpu.memory_space<semaphore_mem>>) src(%dma_wait3A_250 : memref<8x64xf32, #tpu.memory_space<vmem>>) dst(%dma_wait3A_247 : memref<8x64xf32, #tpu.memory_space<hbm>>)
        }
        %scan3A_135 = arith.constant 64 : i32
      } else {
      }
      %jit3A = arith.constant 1 : i32
      %div3A = arith.divsi %scan3A_73, %jit3A : i32
      %sign3A = arith.constant 0 : i32
      %sign3A_76 = arith.cmpi sgt, %scan3A_73, %sign3A : i32
      %sign3A_77 = arith.extui %sign3A_76 : i1 to i32
      %sign3A_78 = arith.constant 0 : i32
      %sign3A_79 = arith.cmpi slt, %scan3A_73, %sign3A_78 : i32
      %sign3A_80 = arith.extui %sign3A_79 : i1 to i32
      %sign3A_81 = arith.subi %sign3A_77, %sign3A_80 : i32
      %sign3A_82 = arith.constant 0 : i32
      %sign3A_83 = arith.cmpi sgt, %jit3A, %sign3A_82 : i32
      %sign3A_84 = arith.extui %sign3A_83 : i1 to i32
      %sign3A_85 = arith.constant 0 : i32
      %sign3A_86 = arith.cmpi slt, %jit3A, %sign3A_85 : i32
      %sign3A_87 = arith.extui %sign3A_86 : i1 to i32
      %sign3A_88 = arith.subi %sign3A_84, %sign3A_87 : i32
      %ne3A = arith.cmpi ne, %sign3A_81, %sign3A_88 : i32
      %rem3A = arith.remsi %scan3A_73, %jit3A : i32
      %ne3A_89 = arith.constant 0 : i32
      %ne3A_90 = arith.cmpi ne, %rem3A, %ne3A_89 : i32
      %and3A = arith.andi %ne3A, %ne3A_90 : i1
      %sub3A = arith.constant 1 : i32
      %sub3A_91 = arith.subi %div3A, %sub3A : i32
      %select_n3A = arith.select %and3A, %sub3A_91, %div3A : i32
      %rem3A_92 = arith.constant 1 : i32
      %rem3A_93 = arith.remsi %scan3A_73, %rem3A_92 : i32
      %mul3A_94 = arith.constant 16384 : i32
      %mul3A_95 = arith.muli %select_n3A, %mul3A_94 : i32
      %add3A_96 = arith.addi %mul3A_95, %mul3A_2 : i32
      %mul3A_97 = arith.constant 512 : i32
      %mul3A_98 = arith.muli %rem3A_93, %mul3A_97 : i32
      %add3A_99 = arith.addi %add3A_96, %mul3A_98 : i32
      %dma_wait3A_100 = arith.constant 0 : i32
      %dma_wait3A_101 = tpu.memref_slice %arg5[%scan3A_73, %dma_wait3A_100] : memref<4x512xi32, #tpu.memory_space<vmem>> -> memref<1x512xi32, #tpu.memory_space<vmem>>
      %dma_wait3A_102 = tpu.memref_squeeze %dma_wait3A_101 : memref<1x512xi32, #tpu.memory_space<vmem>> -> memref<512xi32, #tpu.memory_space<vmem>>
      %dma_wait3A_103 = tpu.memref_slice %arg2[%add3A_99] : memref<65536xi32, #tpu.memory_space<hbm>> -> memref<512xi32, #tpu.memory_space<hbm>>
      %dma_wait3A_104 = arith.constant 0 : i32
      %dma_wait3A_105 = tpu.memref_slice %arg5[%scan3A_73, %dma_wait3A_104] : memref<4x512xi32, #tpu.memory_space<vmem>> -> memref<1x512xi32, #tpu.memory_space<vmem>>
      %dma_wait3A_106 = tpu.memref_squeeze %dma_wait3A_105 : memref<1x512xi32, #tpu.memory_space<vmem>> -> memref<512xi32, #tpu.memory_space<vmem>>
      %dma_wait3A_107 = tpu.memref_slice %arg2[%add3A_99] : memref<65536xi32, #tpu.memory_space<hbm>> -> memref<512xi32, #tpu.memory_space<hbm>>
      tpu.wait_dma2 semaphore(%arg7 : memref<!tpu.dma_semaphore, #tpu.memory_space<semaphore_mem>>) src(%dma_wait3A_107 : memref<512xi32, #tpu.memory_space<hbm>>) dst(%dma_wait3A_106 : memref<512xi32, #tpu.memory_space<vmem>>)
      %rem3A_108 = arith.constant 3 : i32
      %rem3A_109 = arith.remsi %scan3A_73, %rem3A_108 : i32
      %rem3A_110 = arith.constant 3 : i32
      %rem3A_111 = arith.remsi %scan3A_73, %rem3A_110 : i32
      %dma_start3A = arith.constant 0 : i32
      %dma_start3A_112 = arith.constant 0 : i32
      %dma_start3A_113 = tpu.memref_slice %arg6[%rem3A_109, %dma_start3A, %dma_start3A_112] : memref<3x512x64xf32, #tpu.memory_space<vmem>> -> memref<1x512x64xf32, #tpu.memory_space<vmem>>
      %dma_start3A_114 = tpu.memref_squeeze %dma_start3A_113 : memref<1x512x64xf32, #tpu.memory_space<vmem>> -> memref<512x64xf32, #tpu.memory_space<vmem>>
      %dma_start3A_115 = arith.constant 0 : i32
      %dma_start3A_116 = tpu.memref_slice %arg5[%scan3A_73, %dma_start3A_115] : memref<4x512xi32, #tpu.memory_space<vmem>> -> memref<1x512xi32, #tpu.memory_space<vmem>>
      %dma_start3A_117 = tpu.memref_squeeze %dma_start3A_116 : memref<1x512xi32, #tpu.memory_space<vmem>> -> memref<512xi32, #tpu.memory_space<vmem>>
      %dma_start3A_118 = arith.constant 0 : i32
      %dma_start3A_119 = arith.constant 0 : i32
      %dma_start3A_120 = tpu.memref_slice %arg3[%dma_start3A_118, %dma_start3A_119] : memref<4000x64xf32, #tpu.memory_space<hbm>> -> memref<4000x64xf32, #tpu.memory_space<hbm>>
      %dma_start3A_121 = tpu.memref_slice %arg8[%rem3A_111] : memref<3x!tpu.dma_semaphore, #tpu.memory_space<semaphore_mem>> -> memref<1x!tpu.dma_semaphore, #tpu.memory_space<semaphore_mem>>
      %dma_start3A_122 = tpu.memref_squeeze %dma_start3A_121 : memref<1x!tpu.dma_semaphore, #tpu.memory_space<semaphore_mem>> -> memref<!tpu.dma_semaphore, #tpu.memory_space<semaphore_mem>>
      tpu.enqueue_indirect_dma source(%dma_start3A_120 : memref<4000x64xf32, #tpu.memory_space<hbm>>) target(%dma_start3A_114 : memref<512x64xf32, #tpu.memory_space<vmem>>) offsets(%dma_start3A_117 : memref<512xi32, #tpu.memory_space<vmem>>) semaphore(%dma_start3A_122 : memref<!tpu.dma_semaphore, #tpu.memory_space<semaphore_mem>>)
      %ge3A_123 = arith.constant 2 : i32
      %ge3A_124 = arith.cmpi sge, %scan3A_73, %ge3A_123 : i32
      %convert_element_type3A_125 = arith.extui %ge3A_124 : i1 to i32
      %cond3A_126 = arith.constant 0 : i32
      %cond3A_127 = arith.cmpi ne, %convert_element_type3A_125, %cond3A_126 : i32
      scf.if %cond3A_127 {
        %sub3A_128 = arith.constant 2 : i32
        %sub3A_129 = arith.subi %scan3A_73, %sub3A_128 : i32
        %rem3A_130 = arith.constant 3 : i32
        %rem3A_131 = arith.remsi %sub3A_129, %rem3A_130 : i32
        %rem3A_132 = arith.constant 3 : i32
        %rem3A_133 = arith.remsi %sub3A_129, %rem3A_132 : i32
        %dma_wait3A_134 = arith.constant 0 : i32
        %dma_wait3A_135 = arith.constant 0 : i32
        %dma_wait3A_136 = tpu.memref_slice %arg6[%rem3A_131, %dma_wait3A_134, %dma_wait3A_135] : memref<3x512x64xf32, #tpu.memory_space<vmem>> -> memref<1x512x64xf32, #tpu.memory_space<vmem>>
        %dma_wait3A_137 = tpu.memref_squeeze %dma_wait3A_136 : memref<1x512x64xf32, #tpu.memory_space<vmem>> -> memref<512x64xf32, #tpu.memory_space<vmem>>
        %dma_wait3A_138 = arith.constant 0 : i32
        %dma_wait3A_139 = tpu.memref_slice %arg5[%sub3A_129, %dma_wait3A_138] : memref<4x512xi32, #tpu.memory_space<vmem>> -> memref<1x512xi32, #tpu.memory_space<vmem>>
        %dma_wait3A_140 = tpu.memref_squeeze %dma_wait3A_139 : memref<1x512xi32, #tpu.memory_space<vmem>> -> memref<512xi32, #tpu.memory_space<vmem>>
        %dma_wait3A_141 = arith.constant 0 : i32
        %dma_wait3A_142 = arith.constant 0 : i32
        %dma_wait3A_143 = tpu.memref_slice %arg3[%dma_wait3A_141, %dma_wait3A_142] : memref<4000x64xf32, #tpu.memory_space<hbm>> -> memref<4000x64xf32, #tpu.memory_space<hbm>>
        %dma_wait3A_144 = tpu.memref_slice %arg8[%rem3A_133] : memref<3x!tpu.dma_semaphore, #tpu.memory_space<semaphore_mem>> -> memref<1x!tpu.dma_semaphore, #tpu.memory_space<semaphore_mem>>
        %dma_wait3A_145 = tpu.memref_squeeze %dma_wait3A_144 : memref<1x!tpu.dma_semaphore, #tpu.memory_space<semaphore_mem>> -> memref<!tpu.dma_semaphore, #tpu.memory_space<semaphore_mem>>
        tpu.wait_indirect_dma semaphore(%dma_wait3A_145 : memref<!tpu.dma_semaphore, #tpu.memory_space<semaphore_mem>>) src(%dma_wait3A_143 : memref<4000x64xf32, #tpu.memory_space<hbm>>) dst(%dma_wait3A_137 : memref<512x64xf32, #tpu.memory_space<vmem>>)
        %sub3A_146 = arith.constant 2 : i32
        %sub3A_147 = arith.subi %scan3A_73, %sub3A_146 : i32
        %scan3A_148 = arith.constant 0 : i32
        %scan3A_149 = arith.constant 0 : i32
        %scan3A_150 = arith.constant 64 : i32
        %scan3A_151 = arith.addi %scan3A_149, %scan3A_150 : i32
        %scan3A_152 = arith.constant 1 : i32
        scf.for %scan3A_154 = %scan3A_149 to %scan3A_151 step %scan3A_152  : i32 {
          %rem3A_155 = arith.constant 3 : i32
          %rem3A_156 = arith.remsi %sub3A_147, %rem3A_155 : i32
          %mul3A_157 = arith.constant 8 : i32
          %mul3A_158 = arith.muli %scan3A_154, %mul3A_157 : i32
          %jit3A_159 = arith.constant 1 : i32
          %div3A_160 = arith.divsi %sub3A_147, %jit3A_159 : i32
          %sign3A_161 = arith.constant 0 : i32
          %sign3A_162 = arith.cmpi sgt, %sub3A_147, %sign3A_161 : i32
          %sign3A_163 = arith.extui %sign3A_162 : i1 to i32
          %sign3A_164 = arith.constant 0 : i32
          %sign3A_165 = arith.cmpi slt, %sub3A_147, %sign3A_164 : i32
          %sign3A_166 = arith.extui %sign3A_165 : i1 to i32
          %sign3A_167 = arith.subi %sign3A_163, %sign3A_166 : i32
          %sign3A_168 = arith.constant 0 : i32
          %sign3A_169 = arith.cmpi sgt, %jit3A_159, %sign3A_168 : i32
          %sign3A_170 = arith.extui %sign3A_169 : i1 to i32
          %sign3A_171 = arith.constant 0 : i32
          %sign3A_172 = arith.cmpi slt, %jit3A_159, %sign3A_171 : i32
          %sign3A_173 = arith.extui %sign3A_172 : i1 to i32
          %sign3A_174 = arith.subi %sign3A_170, %sign3A_173 : i32
          %ne3A_175 = arith.cmpi ne, %sign3A_167, %sign3A_174 : i32
          %rem3A_176 = arith.remsi %sub3A_147, %jit3A_159 : i32
          %ne3A_177 = arith.constant 0 : i32
          %ne3A_178 = arith.cmpi ne, %rem3A_176, %ne3A_177 : i32
          %and3A_179 = arith.andi %ne3A_175, %ne3A_178 : i1
          %sub3A_180 = arith.constant 1 : i32
          %sub3A_181 = arith.subi %div3A_160, %sub3A_180 : i32
          %select_n3A_182 = arith.select %and3A_179, %sub3A_181, %div3A_160 : i32
          %rem3A_183 = arith.constant 1 : i32
          %rem3A_184 = arith.remsi %sub3A_147, %rem3A_183 : i32
          %mul3A_185 = arith.constant 512 : i32
          %mul3A_186 = arith.muli %rem3A_184, %mul3A_185 : i32
          %add3A_187 = arith.addi %mul3A_2, %mul3A_186 : i32
          %jit3A_188 = arith.constant 8 : i32
          %div3A_189 = arith.divsi %add3A_187, %jit3A_188 : i32
          %sign3A_190 = arith.constant 0 : i32
          %sign3A_191 = arith.cmpi sgt, %add3A_187, %sign3A_190 : i32
          %sign3A_192 = arith.extui %sign3A_191 : i1 to i32
          %sign3A_193 = arith.constant 0 : i32
          %sign3A_194 = arith.cmpi slt, %add3A_187, %sign3A_193 : i32
          %sign3A_195 = arith.extui %sign3A_194 : i1 to i32
          %sign3A_196 = arith.subi %sign3A_192, %sign3A_195 : i32
          %sign3A_197 = arith.constant 0 : i32
          %sign3A_198 = arith.cmpi sgt, %jit3A_188, %sign3A_197 : i32
          %sign3A_199 = arith.extui %sign3A_198 : i1 to i32
          %sign3A_200 = arith.constant 0 : i32
          %sign3A_201 = arith.cmpi slt, %jit3A_188, %sign3A_200 : i32
          %sign3A_202 = arith.extui %sign3A_201 : i1 to i32
          %sign3A_203 = arith.subi %sign3A_199, %sign3A_202 : i32
          %ne3A_204 = arith.cmpi ne, %sign3A_196, %sign3A_203 : i32
          %rem3A_205 = arith.remsi %add3A_187, %jit3A_188 : i32
          %ne3A_206 = arith.constant 0 : i32
          %ne3A_207 = arith.cmpi ne, %rem3A_205, %ne3A_206 : i32
          %and3A_208 = arith.andi %ne3A_204, %ne3A_207 : i1
          %sub3A_209 = arith.constant 1 : i32
          %sub3A_210 = arith.subi %div3A_189, %sub3A_209 : i32
          %select_n3A_211 = arith.select %and3A_208, %sub3A_210, %div3A_189 : i32
          %add3A_212 = arith.addi %select_n3A_211, %scan3A_154 : i32
          %jit3A_213 = arith.constant 2 : i32
          %div3A_214 = arith.divsi %select_n3A_182, %jit3A_213 : i32
          %sign3A_215 = arith.constant 0 : i32
          %sign3A_216 = arith.cmpi sgt, %select_n3A_182, %sign3A_215 : i32
          %sign3A_217 = arith.extui %sign3A_216 : i1 to i32
          %sign3A_218 = arith.constant 0 : i32
          %sign3A_219 = arith.cmpi slt, %select_n3A_182, %sign3A_218 : i32
          %sign3A_220 = arith.extui %sign3A_219 : i1 to i32
          %sign3A_221 = arith.subi %sign3A_217, %sign3A_220 : i32
          %sign3A_222 = arith.constant 0 : i32
          %sign3A_223 = arith.cmpi sgt, %jit3A_213, %sign3A_222 : i32
          %sign3A_224 = arith.extui %sign3A_223 : i1 to i32
          %sign3A_225 = arith.constant 0 : i32
          %sign3A_226 = arith.cmpi slt, %jit3A_213, %sign3A_225 : i32
          %sign3A_227 = arith.extui %sign3A_226 : i1 to i32
          %sign3A_228 = arith.subi %sign3A_224, %sign3A_227 : i32
          %ne3A_229 = arith.cmpi ne, %sign3A_221, %sign3A_228 : i32
          %rem3A_230 = arith.remsi %select_n3A_182, %jit3A_213 : i32
          %ne3A_231 = arith.constant 0 : i32
          %ne3A_232 = arith.cmpi ne, %rem3A_230, %ne3A_231 : i32
          %and3A_233 = arith.andi %ne3A_229, %ne3A_232 : i1
          %sub3A_234 = arith.constant 1 : i32
          %sub3A_235 = arith.subi %div3A_214, %sub3A_234 : i32
          %select_n3A_236 = arith.select %and3A_233, %sub3A_235, %div3A_214 : i32
          %jit3A_237 = arith.constant 2 : i32
          %eq3A = arith.constant 0 : i32
          %eq3A_238 = arith.cmpi eq, %jit3A_237, %eq3A : i32
          %jit3A_239 = arith.constant 1 : i32
          %select_n3A_240 = arith.select %eq3A_238, %jit3A_239, %jit3A_237 : i32
          %rem3A_241 = arith.remsi %select_n3A_182, %select_n3A_240 : i32
          %ne3A_242 = arith.constant 0 : i32
          %ne3A_243 = arith.cmpi ne, %rem3A_241, %ne3A_242 : i32
          %lt3A = arith.constant 0 : i32
          %lt3A_244 = arith.cmpi slt, %rem3A_241, %lt3A : i32
          %lt3A_245 = arith.constant 0 : i32
          %lt3A_246 = arith.cmpi slt, %select_n3A_240, %lt3A_245 : i32
          %ne3A_247 = arith.xori %lt3A_244, %lt3A_246 : i1
          %and3A_248 = arith.andi %ne3A_247, %ne3A_243 : i1
          %add3A_249 = arith.addi %rem3A_241, %select_n3A_240 : i32
          %select_n3A_250 = arith.select %and3A_248, %add3A_249, %rem3A_241 : i32
          %mul3A_251 = arith.constant 64 : i32
          %mul3A_252 = arith.muli %select_n3A_250, %mul3A_251 : i32
          %rem3A_253 = arith.constant 3 : i32
          %rem3A_254 = arith.remsi %sub3A_147, %rem3A_253 : i32
          %dma_start3A_255 = arith.constant 0 : i32
          %dma_start3A_256 = tpu.memref_slice %arg6[%rem3A_156, %mul3A_158, %dma_start3A_255] : memref<3x512x64xf32, #tpu.memory_space<vmem>> -> memref<1x8x64xf32, #tpu.memory_space<vmem>>
          %dma_start3A_257 = tpu.memref_squeeze %dma_start3A_256 : memref<1x8x64xf32, #tpu.memory_space<vmem>> -> memref<8x64xf32, #tpu.memory_space<vmem>>
          %dma_start3A_258 = arith.constant 0 : i32
          %dma_start3A_259 = tpu.memref_slice %arg4[%add3A_212, %select_n3A_236, %dma_start3A_258, %mul3A_252] : memref<2048x2x8x128xf32, #tpu.memory_space<hbm>> -> memref<1x1x8x64xf32, #tpu.memory_space<hbm>>
          %dma_start3A_260 = tpu.memref_squeeze %dma_start3A_259 : memref<1x1x8x64xf32, #tpu.memory_space<hbm>> -> memref<8x64xf32, #tpu.memory_space<hbm>>
          %dma_start3A_261 = tpu.memref_slice %arg9[%rem3A_254] : memref<3x!tpu.dma_semaphore, #tpu.memory_space<semaphore_mem>> -> memref<1x!tpu.dma_semaphore, #tpu.memory_space<semaphore_mem>>
          %dma_start3A_262 = tpu.memref_squeeze %dma_start3A_261 : memref<1x!tpu.dma_semaphore, #tpu.memory_space<semaphore_mem>> -> memref<!tpu.dma_semaphore, #tpu.memory_space<semaphore_mem>>
          %dma_start3A_263 = arith.constant 0 : i32
          %dma_start3A_264 = tpu.memref_slice %arg4[%add3A_212, %select_n3A_236, %dma_start3A_263, %mul3A_252] : memref<2048x2x8x128xf32, #tpu.memory_space<hbm>> -> memref<1x1x8x64xf32, #tpu.memory_space<hbm>>
          %dma_start3A_265 = tpu.memref_squeeze %dma_start3A_264 : memref<1x1x8x64xf32, #tpu.memory_space<hbm>> -> memref<8x64xf32, #tpu.memory_space<hbm>>
          %dma_start3A_266 = arith.constant 0 : i32
          %dma_start3A_267 = tpu.memref_slice %arg6[%rem3A_156, %mul3A_158, %dma_start3A_266] : memref<3x512x64xf32, #tpu.memory_space<vmem>> -> memref<1x8x64xf32, #tpu.memory_space<vmem>>
          %dma_start3A_268 = tpu.memref_squeeze %dma_start3A_267 : memref<1x8x64xf32, #tpu.memory_space<vmem>> -> memref<8x64xf32, #tpu.memory_space<vmem>>
          tpu.enqueue_dma source(%dma_start3A_268 : memref<8x64xf32, #tpu.memory_space<vmem>>) target(%dma_start3A_265 : memref<8x64xf32, #tpu.memory_space<hbm>>) target_semaphore(%dma_start3A_262 : memref<!tpu.dma_semaphore, #tpu.memory_space<semaphore_mem>>)
        }
        %scan3A_153 = arith.constant 64 : i32
      } else {
      }
    }
    %scan3A_13 = arith.constant 4 : i32
    %dma_wait3A = arith.constant 2 : i32
    %dma_wait3A_14 = arith.constant 2 : i32
    %dma_wait3A_15 = arith.constant 2 : i32
    %dma_wait3A_16 = arith.constant 0 : i32
    %dma_wait3A_17 = arith.constant 0 : i32
    %dma_wait3A_18 = tpu.memref_slice %arg6[%dma_wait3A_14, %dma_wait3A_16, %dma_wait3A_17] : memref<3x512x64xf32, #tpu.memory_space<vmem>> -> memref<1x512x64xf32, #tpu.memory_space<vmem>>
    %dma_wait3A_19 = tpu.memref_squeeze %dma_wait3A_18 : memref<1x512x64xf32, #tpu.memory_space<vmem>> -> memref<512x64xf32, #tpu.memory_space<vmem>>
    %dma_wait3A_20 = arith.constant 0 : i32
    %dma_wait3A_21 = tpu.memref_slice %arg5[%dma_wait3A, %dma_wait3A_20] : memref<4x512xi32, #tpu.memory_space<vmem>> -> memref<1x512xi32, #tpu.memory_space<vmem>>
    %dma_wait3A_22 = tpu.memref_squeeze %dma_wait3A_21 : memref<1x512xi32, #tpu.memory_space<vmem>> -> memref<512xi32, #tpu.memory_space<vmem>>
    %dma_wait3A_23 = arith.constant 0 : i32
    %dma_wait3A_24 = arith.constant 0 : i32
    %dma_wait3A_25 = tpu.memref_slice %arg3[%dma_wait3A_23, %dma_wait3A_24] : memref<4000x64xf32, #tpu.memory_space<hbm>> -> memref<4000x64xf32, #tpu.memory_space<hbm>>
    %dma_wait3A_26 = tpu.memref_slice %arg8[%dma_wait3A_15] : memref<3x!tpu.dma_semaphore, #tpu.memory_space<semaphore_mem>> -> memref<1x!tpu.dma_semaphore, #tpu.memory_space<semaphore_mem>>
    %dma_wait3A_27 = tpu.memref_squeeze %dma_wait3A_26 : memref<1x!tpu.dma_semaphore, #tpu.memory_space<semaphore_mem>> -> memref<!tpu.dma_semaphore, #tpu.memory_space<semaphore_mem>>
    tpu.wait_indirect_dma semaphore(%dma_wait3A_27 : memref<!tpu.dma_semaphore, #tpu.memory_space<semaphore_mem>>) src(%dma_wait3A_25 : memref<4000x64xf32, #tpu.memory_space<hbm>>) dst(%dma_wait3A_19 : memref<512x64xf32, #tpu.memory_space<vmem>>)
    %scan3A_28 = arith.constant 0 : i32
    %scan3A_29 = arith.constant 0 : i32
    %scan3A_30 = arith.constant 64 : i32
    %scan3A_31 = arith.addi %scan3A_29, %scan3A_30 : i32
    %scan3A_32 = arith.constant 1 : i32
    scf.for %scan3A_73 = %scan3A_29 to %scan3A_31 step %scan3A_32  : i32 {
      %mul3A_74 = arith.constant 8 : i32
      %mul3A_75 = arith.muli %scan3A_73, %mul3A_74 : i32
      %add3A_76 = arith.constant 0 : i32
      %add3A_77 = arith.addi %mul3A_2, %add3A_76 : i32
      %jit3A = arith.constant 8 : i32
      %div3A = arith.divsi %add3A_77, %jit3A : i32
      %sign3A = arith.constant 0 : i32
      %sign3A_78 = arith.cmpi sgt, %add3A_77, %sign3A : i32
      %sign3A_79 = arith.extui %sign3A_78 : i1 to i32
      %sign3A_80 = arith.constant 0 : i32
      %sign3A_81 = arith.cmpi slt, %add3A_77, %sign3A_80 : i32
      %sign3A_82 = arith.extui %sign3A_81 : i1 to i32
      %sign3A_83 = arith.subi %sign3A_79, %sign3A_82 : i32
      %sign3A_84 = arith.constant 0 : i32
      %sign3A_85 = arith.cmpi sgt, %jit3A, %sign3A_84 : i32
      %sign3A_86 = arith.extui %sign3A_85 : i1 to i32
      %sign3A_87 = arith.constant 0 : i32
      %sign3A_88 = arith.cmpi slt, %jit3A, %sign3A_87 : i32
      %sign3A_89 = arith.extui %sign3A_88 : i1 to i32
      %sign3A_90 = arith.subi %sign3A_86, %sign3A_89 : i32
      %ne3A = arith.cmpi ne, %sign3A_83, %sign3A_90 : i32
      %rem3A = arith.remsi %add3A_77, %jit3A : i32
      %ne3A_91 = arith.constant 0 : i32
      %ne3A_92 = arith.cmpi ne, %rem3A, %ne3A_91 : i32
      %and3A = arith.andi %ne3A, %ne3A_92 : i1
      %sub3A = arith.constant 1 : i32
      %sub3A_93 = arith.subi %div3A, %sub3A : i32
      %select_n3A = arith.select %and3A, %sub3A_93, %div3A : i32
      %add3A_94 = arith.addi %select_n3A, %scan3A_73 : i32
      %dma_start3A = arith.constant 2 : i32
      %dma_start3A_95 = arith.constant 1 : i32
      %dma_start3A_96 = arith.constant 2 : i32
      %dma_start3A_97 = arith.constant 0 : i32
      %dma_start3A_98 = tpu.memref_slice %arg6[%dma_start3A, %mul3A_75, %dma_start3A_97] : memref<3x512x64xf32, #tpu.memory_space<vmem>> -> memref<1x8x64xf32, #tpu.memory_space<vmem>>
      %dma_start3A_99 = tpu.memref_squeeze %dma_start3A_98 : memref<1x8x64xf32, #tpu.memory_space<vmem>> -> memref<8x64xf32, #tpu.memory_space<vmem>>
      %dma_start3A_100 = arith.constant 0 : i32
      %dma_start3A_101 = arith.constant 0 : i32
      %dma_start3A_102 = tpu.memref_slice %arg4[%add3A_94, %dma_start3A_95, %dma_start3A_100, %dma_start3A_101] : memref<2048x2x8x128xf32, #tpu.memory_space<hbm>> -> memref<1x1x8x64xf32, #tpu.memory_space<hbm>>
      %dma_start3A_103 = tpu.memref_squeeze %dma_start3A_102 : memref<1x1x8x64xf32, #tpu.memory_space<hbm>> -> memref<8x64xf32, #tpu.memory_space<hbm>>
      %dma_start3A_104 = tpu.memref_slice %arg9[%dma_start3A_96] : memref<3x!tpu.dma_semaphore, #tpu.memory_space<semaphore_mem>> -> memref<1x!tpu.dma_semaphore, #tpu.memory_space<semaphore_mem>>
      %dma_start3A_105 = tpu.memref_squeeze %dma_start3A_104 : memref<1x!tpu.dma_semaphore, #tpu.memory_space<semaphore_mem>> -> memref<!tpu.dma_semaphore, #tpu.memory_space<semaphore_mem>>
      %dma_start3A_106 = arith.constant 0 : i32
      %dma_start3A_107 = arith.constant 0 : i32
      %dma_start3A_108 = tpu.memref_slice %arg4[%add3A_94, %dma_start3A_95, %dma_start3A_106, %dma_start3A_107] : memref<2048x2x8x128xf32, #tpu.memory_space<hbm>> -> memref<1x1x8x64xf32, #tpu.memory_space<hbm>>
      %dma_start3A_109 = tpu.memref_squeeze %dma_start3A_108 : memref<1x1x8x64xf32, #tpu.memory_space<hbm>> -> memref<8x64xf32, #tpu.memory_space<hbm>>
      %dma_start3A_110 = arith.constant 0 : i32
      %dma_start3A_111 = tpu.memref_slice %arg6[%dma_start3A, %mul3A_75, %dma_start3A_110] : memref<3x512x64xf32, #tpu.memory_space<vmem>> -> memref<1x8x64xf32, #tpu.memory_space<vmem>>
      %dma_start3A_112 = tpu.memref_squeeze %dma_start3A_111 : memref<1x8x64xf32, #tpu.memory_space<vmem>> -> memref<8x64xf32, #tpu.memory_space<vmem>>
      tpu.enqueue_dma source(%dma_start3A_112 : memref<8x64xf32, #tpu.memory_space<vmem>>) target(%dma_start3A_109 : memref<8x64xf32, #tpu.memory_space<hbm>>) target_semaphore(%dma_start3A_105 : memref<!tpu.dma_semaphore, #tpu.memory_space<semaphore_mem>>)
    }
    %scan3A_33 = arith.constant 64 : i32
    %dma_wait3A_34 = arith.constant 3 : i32
    %dma_wait3A_35 = arith.constant 0 : i32
    %dma_wait3A_36 = arith.constant 0 : i32
    %dma_wait3A_37 = arith.constant 0 : i32
    %dma_wait3A_38 = arith.constant 0 : i32
    %dma_wait3A_39 = tpu.memref_slice %arg6[%dma_wait3A_35, %dma_wait3A_37, %dma_wait3A_38] : memref<3x512x64xf32, #tpu.memory_space<vmem>> -> memref<1x512x64xf32, #tpu.memory_space<vmem>>
    %dma_wait3A_40 = tpu.memref_squeeze %dma_wait3A_39 : memref<1x512x64xf32, #tpu.memory_space<vmem>> -> memref<512x64xf32, #tpu.memory_space<vmem>>
    %dma_wait3A_41 = arith.constant 0 : i32
    %dma_wait3A_42 = tpu.memref_slice %arg5[%dma_wait3A_34, %dma_wait3A_41] : memref<4x512xi32, #tpu.memory_space<vmem>> -> memref<1x512xi32, #tpu.memory_space<vmem>>
    %dma_wait3A_43 = tpu.memref_squeeze %dma_wait3A_42 : memref<1x512xi32, #tpu.memory_space<vmem>> -> memref<512xi32, #tpu.memory_space<vmem>>
    %dma_wait3A_44 = arith.constant 0 : i32
    %dma_wait3A_45 = arith.constant 0 : i32
    %dma_wait3A_46 = tpu.memref_slice %arg3[%dma_wait3A_44, %dma_wait3A_45] : memref<4000x64xf32, #tpu.memory_space<hbm>> -> memref<4000x64xf32, #tpu.memory_space<hbm>>
    %dma_wait3A_47 = tpu.memref_slice %arg8[%dma_wait3A_36] : memref<3x!tpu.dma_semaphore, #tpu.memory_space<semaphore_mem>> -> memref<1x!tpu.dma_semaphore, #tpu.memory_space<semaphore_mem>>
    %dma_wait3A_48 = tpu.memref_squeeze %dma_wait3A_47 : memref<1x!tpu.dma_semaphore, #tpu.memory_space<semaphore_mem>> -> memref<!tpu.dma_semaphore, #tpu.memory_space<semaphore_mem>>
    tpu.wait_indirect_dma semaphore(%dma_wait3A_48 : memref<!tpu.dma_semaphore, #tpu.memory_space<semaphore_mem>>) src(%dma_wait3A_46 : memref<4000x64xf32, #tpu.memory_space<hbm>>) dst(%dma_wait3A_40 : memref<512x64xf32, #tpu.memory_space<vmem>>)
    %scan3A_49 = arith.constant 0 : i32
    %scan3A_50 = arith.constant 0 : i32
    %scan3A_51 = arith.constant 64 : i32
    %scan3A_52 = arith.addi %scan3A_50, %scan3A_51 : i32
    %scan3A_53 = arith.constant 1 : i32
    scf.for %scan3A_73 = %scan3A_50 to %scan3A_52 step %scan3A_53  : i32 {
      %mul3A_74 = arith.constant 8 : i32
      %mul3A_75 = arith.muli %scan3A_73, %mul3A_74 : i32
      %add3A_76 = arith.constant 0 : i32
      %add3A_77 = arith.addi %mul3A_2, %add3A_76 : i32
      %jit3A = arith.constant 8 : i32
      %div3A = arith.divsi %add3A_77, %jit3A : i32
      %sign3A = arith.constant 0 : i32
      %sign3A_78 = arith.cmpi sgt, %add3A_77, %sign3A : i32
      %sign3A_79 = arith.extui %sign3A_78 : i1 to i32
      %sign3A_80 = arith.constant 0 : i32
      %sign3A_81 = arith.cmpi slt, %add3A_77, %sign3A_80 : i32
      %sign3A_82 = arith.extui %sign3A_81 : i1 to i32
      %sign3A_83 = arith.subi %sign3A_79, %sign3A_82 : i32
      %sign3A_84 = arith.constant 0 : i32
      %sign3A_85 = arith.cmpi sgt, %jit3A, %sign3A_84 : i32
      %sign3A_86 = arith.extui %sign3A_85 : i1 to i32
      %sign3A_87 = arith.constant 0 : i32
      %sign3A_88 = arith.cmpi slt, %jit3A, %sign3A_87 : i32
      %sign3A_89 = arith.extui %sign3A_88 : i1 to i32
      %sign3A_90 = arith.subi %sign3A_86, %sign3A_89 : i32
      %ne3A = arith.cmpi ne, %sign3A_83, %sign3A_90 : i32
      %rem3A = arith.remsi %add3A_77, %jit3A : i32
      %ne3A_91 = arith.constant 0 : i32
      %ne3A_92 = arith.cmpi ne, %rem3A, %ne3A_91 : i32
      %and3A = arith.andi %ne3A, %ne3A_92 : i1
      %sub3A = arith.constant 1 : i32
      %sub3A_93 = arith.subi %div3A, %sub3A : i32
      %select_n3A = arith.select %and3A, %sub3A_93, %div3A : i32
      %add3A_94 = arith.addi %select_n3A, %scan3A_73 : i32
      %dma_start3A = arith.constant 0 : i32
      %dma_start3A_95 = arith.constant 1 : i32
      %dma_start3A_96 = arith.constant 0 : i32
      %dma_start3A_97 = arith.constant 0 : i32
      %dma_start3A_98 = tpu.memref_slice %arg6[%dma_start3A, %mul3A_75, %dma_start3A_97] : memref<3x512x64xf32, #tpu.memory_space<vmem>> -> memref<1x8x64xf32, #tpu.memory_space<vmem>>
      %dma_start3A_99 = tpu.memref_squeeze %dma_start3A_98 : memref<1x8x64xf32, #tpu.memory_space<vmem>> -> memref<8x64xf32, #tpu.memory_space<vmem>>
      %dma_start3A_100 = arith.constant 0 : i32
      %dma_start3A_101 = arith.constant 64 : i32
      %dma_start3A_102 = tpu.memref_slice %arg4[%add3A_94, %dma_start3A_95, %dma_start3A_100, %dma_start3A_101] : memref<2048x2x8x128xf32, #tpu.memory_space<hbm>> -> memref<1x1x8x64xf32, #tpu.memory_space<hbm>>
      %dma_start3A_103 = tpu.memref_squeeze %dma_start3A_102 : memref<1x1x8x64xf32, #tpu.memory_space<hbm>> -> memref<8x64xf32, #tpu.memory_space<hbm>>
      %dma_start3A_104 = tpu.memref_slice %arg9[%dma_start3A_96] : memref<3x!tpu.dma_semaphore, #tpu.memory_space<semaphore_mem>> -> memref<1x!tpu.dma_semaphore, #tpu.memory_space<semaphore_mem>>
      %dma_start3A_105 = tpu.memref_squeeze %dma_start3A_104 : memref<1x!tpu.dma_semaphore, #tpu.memory_space<semaphore_mem>> -> memref<!tpu.dma_semaphore, #tpu.memory_space<semaphore_mem>>
      %dma_start3A_106 = arith.constant 0 : i32
      %dma_start3A_107 = arith.constant 64 : i32
      %dma_start3A_108 = tpu.memref_slice %arg4[%add3A_94, %dma_start3A_95, %dma_start3A_106, %dma_start3A_107] : memref<2048x2x8x128xf32, #tpu.memory_space<hbm>> -> memref<1x1x8x64xf32, #tpu.memory_space<hbm>>
      %dma_start3A_109 = tpu.memref_squeeze %dma_start3A_108 : memref<1x1x8x64xf32, #tpu.memory_space<hbm>> -> memref<8x64xf32, #tpu.memory_space<hbm>>
      %dma_start3A_110 = arith.constant 0 : i32
      %dma_start3A_111 = tpu.memref_slice %arg6[%dma_start3A, %mul3A_75, %dma_start3A_110] : memref<3x512x64xf32, #tpu.memory_space<vmem>> -> memref<1x8x64xf32, #tpu.memory_space<vmem>>
      %dma_start3A_112 = tpu.memref_squeeze %dma_start3A_111 : memref<1x8x64xf32, #tpu.memory_space<vmem>> -> memref<8x64xf32, #tpu.memory_space<vmem>>
      tpu.enqueue_dma source(%dma_start3A_112 : memref<8x64xf32, #tpu.memory_space<vmem>>) target(%dma_start3A_109 : memref<8x64xf32, #tpu.memory_space<hbm>>) target_semaphore(%dma_start3A_105 : memref<!tpu.dma_semaphore, #tpu.memory_space<semaphore_mem>>)
    }
    %scan3A_54 = arith.constant 64 : i32
    %scan3A_55 = arith.constant 0 : i32
    %scan3A_56 = arith.constant 0 : i32
    %scan3A_57 = arith.constant 64 : i32
    %scan3A_58 = arith.addi %scan3A_56, %scan3A_57 : i32
    %scan3A_59 = arith.constant 1 : i32
    scf.for %scan3A_73 = %scan3A_56 to %scan3A_58 step %scan3A_59  : i32 {
      %mul3A_74 = arith.constant 8 : i32
      %mul3A_75 = arith.muli %scan3A_73, %mul3A_74 : i32
      %add3A_76 = arith.constant 0 : i32
      %add3A_77 = arith.addi %mul3A_2, %add3A_76 : i32
      %jit3A = arith.constant 8 : i32
      %div3A = arith.divsi %add3A_77, %jit3A : i32
      %sign3A = arith.constant 0 : i32
      %sign3A_78 = arith.cmpi sgt, %add3A_77, %sign3A : i32
      %sign3A_79 = arith.extui %sign3A_78 : i1 to i32
      %sign3A_80 = arith.constant 0 : i32
      %sign3A_81 = arith.cmpi slt, %add3A_77, %sign3A_80 : i32
      %sign3A_82 = arith.extui %sign3A_81 : i1 to i32
      %sign3A_83 = arith.subi %sign3A_79, %sign3A_82 : i32
      %sign3A_84 = arith.constant 0 : i32
      %sign3A_85 = arith.cmpi sgt, %jit3A, %sign3A_84 : i32
      %sign3A_86 = arith.extui %sign3A_85 : i1 to i32
      %sign3A_87 = arith.constant 0 : i32
      %sign3A_88 = arith.cmpi slt, %jit3A, %sign3A_87 : i32
      %sign3A_89 = arith.extui %sign3A_88 : i1 to i32
      %sign3A_90 = arith.subi %sign3A_86, %sign3A_89 : i32
      %ne3A = arith.cmpi ne, %sign3A_83, %sign3A_90 : i32
      %rem3A = arith.remsi %add3A_77, %jit3A : i32
      %ne3A_91 = arith.constant 0 : i32
      %ne3A_92 = arith.cmpi ne, %rem3A, %ne3A_91 : i32
      %and3A = arith.andi %ne3A, %ne3A_92 : i1
      %sub3A = arith.constant 1 : i32
      %sub3A_93 = arith.subi %div3A, %sub3A : i32
      %select_n3A = arith.select %and3A, %sub3A_93, %div3A : i32
      %add3A_94 = arith.addi %select_n3A, %scan3A_73 : i32
      %dma_wait3A_95 = arith.constant 1 : i32
      %dma_wait3A_96 = arith.constant 0 : i32
      %dma_wait3A_97 = arith.constant 1 : i32
      %dma_wait3A_98 = arith.constant 0 : i32
      %dma_wait3A_99 = tpu.memref_slice %arg6[%dma_wait3A_95, %mul3A_75, %dma_wait3A_98] : memref<3x512x64xf32, #tpu.memory_space<vmem>> -> memref<1x8x64xf32, #tpu.memory_space<vmem>>
      %dma_wait3A_100 = tpu.memref_squeeze %dma_wait3A_99 : memref<1x8x64xf32, #tpu.memory_space<vmem>> -> memref<8x64xf32, #tpu.memory_space<vmem>>
      %dma_wait3A_101 = arith.constant 0 : i32
      %dma_wait3A_102 = arith.constant 64 : i32
      %dma_wait3A_103 = tpu.memref_slice %arg4[%add3A_94, %dma_wait3A_96, %dma_wait3A_101, %dma_wait3A_102] : memref<2048x2x8x128xf32, #tpu.memory_space<hbm>> -> memref<1x1x8x64xf32, #tpu.memory_space<hbm>>
      %dma_wait3A_104 = tpu.memref_squeeze %dma_wait3A_103 : memref<1x1x8x64xf32, #tpu.memory_space<hbm>> -> memref<8x64xf32, #tpu.memory_space<hbm>>
      %dma_wait3A_105 = tpu.memref_slice %arg9[%dma_wait3A_97] : memref<3x!tpu.dma_semaphore, #tpu.memory_space<semaphore_mem>> -> memref<1x!tpu.dma_semaphore, #tpu.memory_space<semaphore_mem>>
      %dma_wait3A_106 = tpu.memref_squeeze %dma_wait3A_105 : memref<1x!tpu.dma_semaphore, #tpu.memory_space<semaphore_mem>> -> memref<!tpu.dma_semaphore, #tpu.memory_space<semaphore_mem>>
      %dma_wait3A_107 = arith.constant 0 : i32
      %dma_wait3A_108 = arith.constant 64 : i32
      %dma_wait3A_109 = tpu.memref_slice %arg4[%add3A_94, %dma_wait3A_96, %dma_wait3A_107, %dma_wait3A_108] : memref<2048x2x8x128xf32, #tpu.memory_space<hbm>> -> memref<1x1x8x64xf32, #tpu.memory_space<hbm>>
      %dma_wait3A_110 = tpu.memref_squeeze %dma_wait3A_109 : memref<1x1x8x64xf32, #tpu.memory_space<hbm>> -> memref<8x64xf32, #tpu.memory_space<hbm>>
      %dma_wait3A_111 = arith.constant 0 : i32
      %dma_wait3A_112 = tpu.memref_slice %arg6[%dma_wait3A_95, %mul3A_75, %dma_wait3A_111] : memref<3x512x64xf32, #tpu.memory_space<vmem>> -> memref<1x8x64xf32, #tpu.memory_space<vmem>>
      %dma_wait3A_113 = tpu.memref_squeeze %dma_wait3A_112 : memref<1x8x64xf32, #tpu.memory_space<vmem>> -> memref<8x64xf32, #tpu.memory_space<vmem>>
      tpu.wait_dma2 semaphore(%dma_wait3A_106 : memref<!tpu.dma_semaphore, #tpu.memory_space<semaphore_mem>>) src(%dma_wait3A_113 : memref<8x64xf32, #tpu.memory_space<vmem>>) dst(%dma_wait3A_110 : memref<8x64xf32, #tpu.memory_space<hbm>>)
    }
    %scan3A_60 = arith.constant 64 : i32
    %scan3A_61 = arith.constant 0 : i32
    %scan3A_62 = arith.constant 0 : i32
    %scan3A_63 = arith.constant 64 : i32
    %scan3A_64 = arith.addi %scan3A_62, %scan3A_63 : i32
    %scan3A_65 = arith.constant 1 : i32
    scf.for %scan3A_73 = %scan3A_62 to %scan3A_64 step %scan3A_65  : i32 {
      %mul3A_74 = arith.constant 8 : i32
      %mul3A_75 = arith.muli %scan3A_73, %mul3A_74 : i32
      %add3A_76 = arith.constant 0 : i32
      %add3A_77 = arith.addi %mul3A_2, %add3A_76 : i32
      %jit3A = arith.constant 8 : i32
      %div3A = arith.divsi %add3A_77, %jit3A : i32
      %sign3A = arith.constant 0 : i32
      %sign3A_78 = arith.cmpi sgt, %add3A_77, %sign3A : i32
      %sign3A_79 = arith.extui %sign3A_78 : i1 to i32
      %sign3A_80 = arith.constant 0 : i32
      %sign3A_81 = arith.cmpi slt, %add3A_77, %sign3A_80 : i32
      %sign3A_82 = arith.extui %sign3A_81 : i1 to i32
      %sign3A_83 = arith.subi %sign3A_79, %sign3A_82 : i32
      %sign3A_84 = arith.constant 0 : i32
      %sign3A_85 = arith.cmpi sgt, %jit3A, %sign3A_84 : i32
      %sign3A_86 = arith.extui %sign3A_85 : i1 to i32
      %sign3A_87 = arith.constant 0 : i32
      %sign3A_88 = arith.cmpi slt, %jit3A, %sign3A_87 : i32
      %sign3A_89 = arith.extui %sign3A_88 : i1 to i32
      %sign3A_90 = arith.subi %sign3A_86, %sign3A_89 : i32
      %ne3A = arith.cmpi ne, %sign3A_83, %sign3A_90 : i32
      %rem3A = arith.remsi %add3A_77, %jit3A : i32
      %ne3A_91 = arith.constant 0 : i32
      %ne3A_92 = arith.cmpi ne, %rem3A, %ne3A_91 : i32
      %and3A = arith.andi %ne3A, %ne3A_92 : i1
      %sub3A = arith.constant 1 : i32
      %sub3A_93 = arith.subi %div3A, %sub3A : i32
      %select_n3A = arith.select %and3A, %sub3A_93, %div3A : i32
      %add3A_94 = arith.addi %select_n3A, %scan3A_73 : i32
      %dma_wait3A_95 = arith.constant 2 : i32
      %dma_wait3A_96 = arith.constant 1 : i32
      %dma_wait3A_97 = arith.constant 2 : i32
      %dma_wait3A_98 = arith.constant 0 : i32
      %dma_wait3A_99 = tpu.memref_slice %arg6[%dma_wait3A_95, %mul3A_75, %dma_wait3A_98] : memref<3x512x64xf32, #tpu.memory_space<vmem>> -> memref<1x8x64xf32, #tpu.memory_space<vmem>>
      %dma_wait3A_100 = tpu.memref_squeeze %dma_wait3A_99 : memref<1x8x64xf32, #tpu.memory_space<vmem>> -> memref<8x64xf32, #tpu.memory_space<vmem>>
      %dma_wait3A_101 = arith.constant 0 : i32
      %dma_wait3A_102 = arith.constant 0 : i32
      %dma_wait3A_103 = tpu.memref_slice %arg4[%add3A_94, %dma_wait3A_96, %dma_wait3A_101, %dma_wait3A_102] : memref<2048x2x8x128xf32, #tpu.memory_space<hbm>> -> memref<1x1x8x64xf32, #tpu.memory_space<hbm>>
      %dma_wait3A_104 = tpu.memref_squeeze %dma_wait3A_103 : memref<1x1x8x64xf32, #tpu.memory_space<hbm>> -> memref<8x64xf32, #tpu.memory_space<hbm>>
      %dma_wait3A_105 = tpu.memref_slice %arg9[%dma_wait3A_97] : memref<3x!tpu.dma_semaphore, #tpu.memory_space<semaphore_mem>> -> memref<1x!tpu.dma_semaphore, #tpu.memory_space<semaphore_mem>>
      %dma_wait3A_106 = tpu.memref_squeeze %dma_wait3A_105 : memref<1x!tpu.dma_semaphore, #tpu.memory_space<semaphore_mem>> -> memref<!tpu.dma_semaphore, #tpu.memory_space<semaphore_mem>>
      %dma_wait3A_107 = arith.constant 0 : i32
      %dma_wait3A_108 = arith.constant 0 : i32
      %dma_wait3A_109 = tpu.memref_slice %arg4[%add3A_94, %dma_wait3A_96, %dma_wait3A_107, %dma_wait3A_108] : memref<2048x2x8x128xf32, #tpu.memory_space<hbm>> -> memref<1x1x8x64xf32, #tpu.memory_space<hbm>>
      %dma_wait3A_110 = tpu.memref_squeeze %dma_wait3A_109 : memref<1x1x8x64xf32, #tpu.memory_space<hbm>> -> memref<8x64xf32, #tpu.memory_space<hbm>>
      %dma_wait3A_111 = arith.constant 0 : i32
      %dma_wait3A_112 = tpu.memref_slice %arg6[%dma_wait3A_95, %mul3A_75, %dma_wait3A_111] : memref<3x512x64xf32, #tpu.memory_space<vmem>> -> memref<1x8x64xf32, #tpu.memory_space<vmem>>
      %dma_wait3A_113 = tpu.memref_squeeze %dma_wait3A_112 : memref<1x8x64xf32, #tpu.memory_space<vmem>> -> memref<8x64xf32, #tpu.memory_space<vmem>>
      tpu.wait_dma2 semaphore(%dma_wait3A_106 : memref<!tpu.dma_semaphore, #tpu.memory_space<semaphore_mem>>) src(%dma_wait3A_113 : memref<8x64xf32, #tpu.memory_space<vmem>>) dst(%dma_wait3A_110 : memref<8x64xf32, #tpu.memory_space<hbm>>)
    }
    %scan3A_66 = arith.constant 64 : i32
    %scan3A_67 = arith.constant 0 : i32
    %scan3A_68 = arith.constant 0 : i32
    %scan3A_69 = arith.constant 64 : i32
    %scan3A_70 = arith.addi %scan3A_68, %scan3A_69 : i32
    %scan3A_71 = arith.constant 1 : i32
    scf.for %scan3A_73 = %scan3A_68 to %scan3A_70 step %scan3A_71  : i32 {
      %mul3A_74 = arith.constant 8 : i32
      %mul3A_75 = arith.muli %scan3A_73, %mul3A_74 : i32
      %add3A_76 = arith.constant 0 : i32
      %add3A_77 = arith.addi %mul3A_2, %add3A_76 : i32
      %jit3A = arith.constant 8 : i32
      %div3A = arith.divsi %add3A_77, %jit3A : i32
      %sign3A = arith.constant 0 : i32
      %sign3A_78 = arith.cmpi sgt, %add3A_77, %sign3A : i32
      %sign3A_79 = arith.extui %sign3A_78 : i1 to i32
      %sign3A_80 = arith.constant 0 : i32
      %sign3A_81 = arith.cmpi slt, %add3A_77, %sign3A_80 : i32
      %sign3A_82 = arith.extui %sign3A_81 : i1 to i32
      %sign3A_83 = arith.subi %sign3A_79, %sign3A_82 : i32
      %sign3A_84 = arith.constant 0 : i32
      %sign3A_85 = arith.cmpi sgt, %jit3A, %sign3A_84 : i32
      %sign3A_86 = arith.extui %sign3A_85 : i1 to i32
      %sign3A_87 = arith.constant 0 : i32
      %sign3A_88 = arith.cmpi slt, %jit3A, %sign3A_87 : i32
      %sign3A_89 = arith.extui %sign3A_88 : i1 to i32
      %sign3A_90 = arith.subi %sign3A_86, %sign3A_89 : i32
      %ne3A = arith.cmpi ne, %sign3A_83, %sign3A_90 : i32
      %rem3A = arith.remsi %add3A_77, %jit3A : i32
      %ne3A_91 = arith.constant 0 : i32
      %ne3A_92 = arith.cmpi ne, %rem3A, %ne3A_91 : i32
      %and3A = arith.andi %ne3A, %ne3A_92 : i1
      %sub3A = arith.constant 1 : i32
      %sub3A_93 = arith.subi %div3A, %sub3A : i32
      %select_n3A = arith.select %and3A, %sub3A_93, %div3A : i32
      %add3A_94 = arith.addi %select_n3A, %scan3A_73 : i32
      %dma_wait3A_95 = arith.constant 0 : i32
      %dma_wait3A_96 = arith.constant 1 : i32
      %dma_wait3A_97 = arith.constant 0 : i32
      %dma_wait3A_98 = arith.constant 0 : i32
      %dma_wait3A_99 = tpu.memref_slice %arg6[%dma_wait3A_95, %mul3A_75, %dma_wait3A_98] : memref<3x512x64xf32, #tpu.memory_space<vmem>> -> memref<1x8x64xf32, #tpu.memory_space<vmem>>
      %dma_wait3A_100 = tpu.memref_squeeze %dma_wait3A_99 : memref<1x8x64xf32, #tpu.memory_space<vmem>> -> memref<8x64xf32, #tpu.memory_space<vmem>>
      %dma_wait3A_101 = arith.constant 0 : i32
      %dma_wait3A_102 = arith.constant 64 : i32
      %dma_wait3A_103 = tpu.memref_slice %arg4[%add3A_94, %dma_wait3A_96, %dma_wait3A_101, %dma_wait3A_102] : memref<2048x2x8x128xf32, #tpu.memory_space<hbm>> -> memref<1x1x8x64xf32, #tpu.memory_space<hbm>>
      %dma_wait3A_104 = tpu.memref_squeeze %dma_wait3A_103 : memref<1x1x8x64xf32, #tpu.memory_space<hbm>> -> memref<8x64xf32, #tpu.memory_space<hbm>>
      %dma_wait3A_105 = tpu.memref_slice %arg9[%dma_wait3A_97] : memref<3x!tpu.dma_semaphore, #tpu.memory_space<semaphore_mem>> -> memref<1x!tpu.dma_semaphore, #tpu.memory_space<semaphore_mem>>
      %dma_wait3A_106 = tpu.memref_squeeze %dma_wait3A_105 : memref<1x!tpu.dma_semaphore, #tpu.memory_space<semaphore_mem>> -> memref<!tpu.dma_semaphore, #tpu.memory_space<semaphore_mem>>
      %dma_wait3A_107 = arith.constant 0 : i32
      %dma_wait3A_108 = arith.constant 64 : i32
      %dma_wait3A_109 = tpu.memref_slice %arg4[%add3A_94, %dma_wait3A_96, %dma_wait3A_107, %dma_wait3A_108] : memref<2048x2x8x128xf32, #tpu.memory_space<hbm>> -> memref<1x1x8x64xf32, #tpu.memory_space<hbm>>
      %dma_wait3A_110 = tpu.memref_squeeze %dma_wait3A_109 : memref<1x1x8x64xf32, #tpu.memory_space<hbm>> -> memref<8x64xf32, #tpu.memory_space<hbm>>
      %dma_wait3A_111 = arith.constant 0 : i32
      %dma_wait3A_112 = tpu.memref_slice %arg6[%dma_wait3A_95, %mul3A_75, %dma_wait3A_111] : memref<3x512x64xf32, #tpu.memory_space<vmem>> -> memref<1x8x64xf32, #tpu.memory_space<vmem>>
      %dma_wait3A_113 = tpu.memref_squeeze %dma_wait3A_112 : memref<1x8x64xf32, #tpu.memory_space<vmem>> -> memref<8x64xf32, #tpu.memory_space<vmem>>
      tpu.wait_dma2 semaphore(%dma_wait3A_106 : memref<!tpu.dma_semaphore, #tpu.memory_space<semaphore_mem>>) src(%dma_wait3A_113 : memref<8x64xf32, #tpu.memory_space<vmem>>) dst(%dma_wait3A_110 : memref<8x64xf32, #tpu.memory_space<hbm>>)
    }
    %scan3A_72 = arith.constant 64 : i32
    return
  }
}

</mosaic_0001>

<sc_bundles>
// kernel: kernel.3.cloned.1.call-start
scs
__scs_entry_jumppad:
0x0: {  	(pc) =	sbr.rel $0x88, $3  }
0x1: {  	(tag) =	ssettag $0x0;
	lr =	simm.s32 $0x1  }
0x2: {  	[smem:$0x3F9C] =	sst lr;
	_ =	strace $0xD0000000  }
0x3: {  	_ = 	snop  }
0x4: {  	_ = 	snop  }
0x5: {  	_ = 	snop  }
0x6: {  	_ = 	snop  }
0x7: {  	_ = 	snop  }
__scs_overlays_trampoline_lowered:
0x8: {  	[smem:$0x3FAB] =	sst s0  }
0x9: {  	[smem:$0x3FAC] =	sst s1  }
0xa: {  	[smem:$0x3FAD] =	sst s2  }
0xb: {  	[smem:$0x3FAE] =	sst s3  }
0xc: {  	[smem:$0x3FAF] =	sst s4  }
0xd: {  	[smem:$0x3FB0] =	sst s5  }
0xe: {  	[smem:$0x3FB1] =	sst s6  }
0xf: {  	[smem:$0x3FB2] =	sst s7  }
0x10: {  	[smem:$0x3FB3] =	sst s8  }
0x11: {  	[smem:$0x3FB4] =	sst s9;
	s0 =	simm.s32 @!p0 $0x0  }
0x12: {  	s1 =	sld [smem:$0x3F9A];
	s0 =	simm.s32 @p0 $0x1  }
0x13: {  	[smem:$0x3FB5] =	sst s0;
	s0 =	simm.s32 @!p1 $0x0  }
0x14: {  	s2 =	sld [smem:$0x3F99];
	s0 =	simm.s32 @p1 $0x1  }
0x15: {  	[smem:$0x3FB6] =	sst s0;
	s0 =	simm.s32 @!p2 $0x0  }
0x16: {  	s3 =	sld [smem:$0x3FDB];
	s0 =	simm.s32 @p2 $0x1  }
0x17: {  	s4 =	simm.s32 $0x1BF5;
	[smem:$0x3FB8] =	sst s0  }
0x18: {  	s0 =	sld [smem:$0x3F9B];
	_ =	swait.ge [sflag:s4], $0x0  }
0x19: {  	s7 =	sld [smem:$0x3F9C]  }
0x1a: {  	s8 =	sadd.s32 $0xFFFFE003, lr  }
0x1b: {  	s9 =	sadd.s32 $0xFFFFFEF7, lr;
	s5 =	simm.s32 $0xFFFFFFFF;
	p2 =	slt.u32 s8, $0xFFFFF086  }
0x1c: {  	p1 =	slt.u32 s9, $0xF7A;
	s5 =	simm.s32 @!p2 $0x0  }
0x1d: {  	s5 =	simm.s32 @p1 $0x1;
	p0 =	seq.s32 s7, s2  }
0x1e: {  	s7 =	smul.u32 @!p0 $0xF7A, s2;
	p2 =	seq.s32 @!p0 s5, $0x0  }
0x1f: {  	s9 =	smul.u32 $0xF7A, s1;
	s8 =	simm.s32 @!p0 $0x1BF5;
	p2 =	por !p2, p0  }
0x20: {  	[sflag:s8] =	ssyncset.s32 @!p0 $0xFFFFF086;
	s6 =	sadd.s32 @!p0 s3, s7;
	s7 =	simm.s32 @!p0 $0x108  }
0x21: {  	s3 =	sadd.s32 s3, s9;
	s6 =	sadd.s32 @!p0 $0x88, s6;
	s7 =	simm.s32 @p2 $0x1082  }
0x22: {  	[simem:s7], [sflag:s8] =	dma.local @!p0 [hbm:s6], $0xF7A  }
0x23: {  	s9 =	sor.u32 $0xD0000000, s2;
	s6 =	simm.s32 $0x108;
	_ =	swait.ge @!p0 [sflag:s8], $0x0  }
0x24: {  	s3 =	sadd.s32 $0x88, s3;
	s6 =	simm.s32 @!p1 $0x1082;
	[sflag:s4] =	ssyncset.s32 $0xFFFFF086  }
0x25: {  	[simem:s6], [sflag:s4] =	dma.local [hbm:s3], $0xF7A  }
0x26: {  	[smem:$0x3F9C] =	sst s1;
	(tag) =	ssettag s2;
	_ =	strace s9  }
0x27: {  	s1 =	sld [smem:$0x3FAC]  }
0x28: {  	s2 =	sld [smem:$0x3FAD]  }
0x29: {  	s4 =	sld [smem:$0x3FAF]  }
0x2a: {  	p0 =	seq.s32 s5, $0x0;
	s5 =	sld [smem:$0x3FB0]  }
0x2b: {  	s6 =	sld [smem:$0x3FB1]  }
0x2c: {  	s7 =	sld [smem:$0x3FB2]  }
0x2d: {  	s3 =	simm.s32 $0x108;
	s8 =	sld [smem:$0x3FB3]  }
0x2e: {  	s3 =	simm.s32 @!p0 $0x1082;
	s9 =	sld [smem:$0x3FB4]  }
0x2f: {  	lr =	sadd.s32 s0, s3;
	s0 =	sld [smem:$0x3FAB]  }
0x30: {  	s3 =	sld [smem:$0x3FAE]  }
0x31: {  	[smem:$0x3FB7] =	sst s10  }
0x32: {  	s10 =	sld [smem:$0x3FB5];
	_ =	sdelay $0x3  }
0x33: {  	p0 =	seq.s32 s10, $0x1;
	s10 =	sld [smem:$0x3FB7];
	_ =	sdelay $0x3  }
0x34: {  	[smem:$0x3FB7] =	sst s10  }
0x35: {  	s10 =	sld [smem:$0x3FB6];
	_ =	sdelay $0x3  }
0x36: {  	p1 =	seq.s32 s10, $0x1;
	s10 =	sld [smem:$0x3FB7];
	_ =	sdelay $0x3  }
0x37: {  	[smem:$0x3FB7] =	sst s10  }
0x38: {  	s10 =	sld [smem:$0x3FB8]  }
0x39: {  	_ = 	snop;
	(pc) =	sbr.ind lr, $3  }
0x3a: {  	_ = 	snop  }
0x3b: {  	_ = 	snop  }
0x3c: {  	p2 =	seq.s32 s10, $0x1;
	s10 =	sld [smem:$0x3FB7]  }
0x3d: {  	_ =	shalt  }
0x3e: {  	_ =	shalt  }
0x3f: {  	_ =	shalt  }
0x40: {  	_ =	shalt  }
0x41: {  	_ =	shalt  }
0x42: {  	_ =	shalt  }
0x43: {  	_ =	shalt  }
0x44: {  	_ =	shalt  }
0x45: {  	_ =	shalt  }
0x46: {  	_ =	shalt  }
0x47: {  	_ =	shalt  }
0x48: {  	_ =	shalt  }
0x49: {  	_ =	shalt  }
0x4a: {  	_ =	shalt  }
0x4b: {  	_ =	shalt  }
0x4c: {  	_ =	shalt  }
0x4d: {  	_ =	shalt  }
0x4e: {  	_ =	shalt  }
0x4f: {  	_ =	shalt  }
0x50: {  	_ =	shalt  }
0x51: {  	_ =	shalt  }
0x52: {  	_ =	shalt  }
0x53: {  	_ =	shalt  }
0x54: {  	_ =	shalt  }
0x55: {  	_ =	shalt  }
0x56: {  	_ =	shalt  }
0x57: {  	_ =	shalt  }
0x58: {  	_ =	shalt  }
0x59: {  	_ =	shalt  }
0x5a: {  	_ =	shalt  }
0x5b: {  	_ =	shalt  }
0x5c: {  	_ =	shalt  }
0x5d: {  	_ =	shalt  }
0x5e: {  	_ =	shalt  }
0x5f: {  	_ =	shalt  }
0x60: {  	_ =	shalt  }
0x61: {  	_ =	shalt  }
0x62: {  	_ =	shalt  }
0x63: {  	_ =	shalt  }
0x64: {  	_ =	shalt  }
0x65: {  	_ =	shalt  }
0x66: {  	_ =	shalt  }
0x67: {  	_ =	shalt  }
0x68: {  	_ =	shalt  }
0x69: {  	_ =	shalt  }
0x6a: {  	_ =	shalt  }
0x6b: {  	_ =	shalt  }
0x6c: {  	_ =	shalt  }
0x6d: {  	_ =	shalt  }
0x6e: {  	_ =	shalt  }
0x6f: {  	_ =	shalt  }
0x70: {  	_ =	shalt  }
0x71: {  	_ =	shalt  }
0x72: {  	_ =	shalt  }
0x73: {  	_ =	shalt  }
0x74: {  	_ =	shalt  }
0x75: {  	_ =	shalt  }
0x76: {  	_ =	shalt  }
0x77: {  	_ =	shalt  }
0x78: {  	_ =	shalt  }
0x79: {  	_ =	shalt  }
0x7a: {  	_ =	shalt  }
0x7b: {  	_ =	shalt  }
0x7c: {  	_ =	shalt  }
0x7d: {  	_ =	shalt  }
0x7e: {  	_ =	shalt  }
0x7f: {  	_ =	shalt  }
0x80: {  	_ =	shalt  }
0x81: {  	_ =	shalt  }
0x82: {  	_ =	shalt  }
0x83: {  	_ =	shalt  }
0x84: {  	_ =	shalt  }
0x85: {  	_ =	shalt  }
0x86: {  	_ =	shalt  }
0x87: {  	_ =	shalt  }
.Lfunc_end0:
.L_simem_size_0:
called_computation_lowered:
.L_overlay_start_0:
0x88: {  	s2 =	sld [smem:$0x3FD9]  }
0x89: {  	s3 =	sld [smem:$0x3FFE];
	_ =	sdelay $0x1  }
0x8a: {  	s1 =	srdreg.scid  }
0x8b: {  	s0 =	sand.u32 $0x1, s1  }
0x8c: {  	s17 =	sshll.u32 s0, $0xA;
	s2 =	sadd.s32 s3, s2  }
0x8d: {  	s2 =	sadd.s32 s2, s17  }
0x8e: {  	[smem:$0x3FC3] =	sst s2  }
0x8f: {  	_ = 	snop  }
0x90: {  	s2 =	sld [smem:$0x3FD0];
	(tm) =	ssettm $0x1  }
0x91: {  	s18 =	sld [smem:$0x3FFB];
	_ =	sdelay $0x3  }
0x92: {  	_ =	strace s18  }
0x93: {  	s3 =	sld [smem:$0x3FFC];
	_ =	sdelay $0x3  }
0x94: {  	_ =	strace s3  }
0x95: {  	s3 =	sld [smem:$0x3FFD];
	_ =	sdelay $0x3  }
0x96: {  	_ =	strace s3  }
0x97: {  	_ =	strace $0x8FFFFFFF  }
0x98: {  	s19 =	sld [smem:$0x3FDB];
	_ =	sdelay $0x1  }
0x99: {  	s4 =	simm.s32 $_scs_section_size  }
0x9a: {  	s5 =	simm.s32 $_size__tile_overlayer_lowered;
	s6 =	simm.s32 $_tile_overlayer_lowered  }
0x9b: {  	s22 =	simm.s32 $0x1BFF;
	s21 =	sshll.u32 s6, $0x1;
	s3 =	sadd.s32 s4, s19  }
0x9c: {  	s7 =	simm.s32 $0x0;
	s20 =	sshll.u32 s5, $0x1;
	s5 =	sadd.s32 s21, s3  }
0x9d: {  	[timem:s7], [sflag:s22] =	dma.local [hbm:s5], s20  }
0x9e: {  	_ =	swait.ge [sflag:s22], s20  }
0x9f: {  	s4 =	ssub.s32 $0x0, s20;
	[sflag:s22] =	ssyncset.done $0x0  }
0xa0: {  	[sflag:s22] =	ssyncadd.s32 s4;
	_ =	sdelay $0x1  }
0xa1: {  	s23 =	simm.s32 $0x1B8B  }
0xa2: {  	_ =	swait.ge [sflag:s23], $0x1  }
0xa3: {  	[sflag:s23] =	ssyncset.done $0x0  }
0xa4: {  	s25 =	simm.s32 $0x1B8E;
	s24 =	sld [smem:$0x3FFE];
	[sflag:s23] =	ssyncadd.s32 $0xFFFFFFFF  }
0xa5: {  	s26 =	simm.s32 $execute0_lowered;
	[smem:$0x3FD2] =	sst s25  }
0xa6: {  	s5 =	sshll.u32 s26, $0x1;
	_ =	strace $0x80000046;
	[dreg:$0x1] =	wrdreg $0xFFFFFFFF  }
0xa7: {  	s28 =	simm.s32 $_size_execute0_lowered;
	s3 =	sadd.s32 s3, s5;
	[dreg:$0x0] =	wrdreg $0x0  }
0xa8: {  	s5 =	sshll.u32 s28, $0x1;
	[dreg:$0x2] =	wrdreg s3  }
0xa9: {  	[dreg:$0x3] =	wrdreg s5  }
0xaa: {  	[dreg:$0x4] =	wrdreg $0xC0  }
0xab: {  	_ =	task [dreg:s7], $0x5FFFF  }
0xac: {  	[dreg:$0x1] =	wrdreg $0xFFFFFFFF  }
0xad: {  	[dreg:$0x0] =	wrdreg $0x60  }
0xae: {  	[dreg:$0x2] =	wrdreg s24  }
0xaf: {  	[dreg:$0x3] =	wrdreg s2  }
0xb0: {  	[dreg:$0x4] =	wrdreg $0x9  }
0xb1: {  	_ =	task.clear_ibuf [dreg:s7], $0x5FFFF;
	_ =	strace $0x90000046  }
0xb2: {  	s29 =	simm.s32 $0x9;
	_ =	strace $0x80000048  }
0xb3: {  	_ =	swait.ge [sflag:s29], $0x1  }
0xb4: {  	[sflag:s29] =	ssyncadd.s32 $0xFFFFFFFF  }
0xb5: {  	_ =	strace $0x90000048  }
0xb6: {  	_ =	sfence  }
0xb7: {  	s30 =	sld [smem:$0x0];
	_ =	sdelay $0x2  }
0xb8: {  	s31 =	sshll.u32 s1, $0xD;
	s1 =	sshrl.u32 s1, $0x2  }
0xb9: {  	s3 =	sand.u32 $0x4000, s31;
	s1 =	sadd.s32 s1, s30  }
0xba: {  	s0 =	sor.u32 s3, s0;
	s1 =	sshll.u32 s1, $0x11  }
0xbb: {  	s0 =	sor.u32 s1, s0  }
0xbc: {  	s0 =	sadd.s32 $0x8F2B, s0  }
0xbd: {  	[sflag:s0] =	ssyncadd.remote.s32 $0x1  }
0xbe: {  	_ =	sfence.sel $0xFFFF  }
0xbf: {  	[dreg:$0x0] =	wrdreg $0xFFFFFFFF;
	(pc) =	sbr.abs _section_cstart, $3  }
0xc0: {  	[dreg:$0x1] =	wrdreg $0xFFFFFFFF  }
0xc1: {  	_ =	task.clear_ibuf [dreg:s7], $0x2FFFF;
	_ =	strace $0x9FFFFFFF  }
0xc2: {  	(tm) =	ssettm $0x7FFFFFFF  }
0xc3: {  	_ =	shalt  }
tec
execute0_lowered:
.L_overlay_start_1:
0x0: {  	(tag) =	ssettag $0x1  }
0x1: {  	s0 =	rddreg [dreg:$0x0]  }
0x2: {  	s2 =	rddreg [dreg:$0x1];
	s1 =	srdreg.scid;
	s3 =	simm.s32 $0x0  }
0x3: {  	s11 =	stileid.u32;
	s13 =	simm.s32 $0x200;
	s16 =	simm.s32 $0x1  }
0x4: {  	s17 =	simm.s32 $0x5;
	s18 =	simm.s32 $0x40;
	s19 =	simm.s32 $0x80  }
0x5: {  	s20 =	simm.s32 $0x4;
	s21 =	simm.s32 $0x2;
	s22 =	simm.s32 $0x6  }
0x6: {  	s23 =	simm.s32 $0x7;
	s24 =	simm.s32 $0x0;
	s1 =	sand.u32 $0x1, s1  }
0x7: {  	s4 =	sshll.u32 s11, $0x7;
	[smem:$0x7FF] =	sst s3;
	s31 =	sshll.u32 s11, $0xF  }
0x8: {  	s11 =	sshll.u32 s11, $0x12;
	s5 =	sshll.u32 s1, $0x6;
	s6 =	ssub.s32 $0x2, s1  }
0x9: {  	_ =	strace $0x80000047;
	s10 =	sshll.u32 s1, $0xE;
	s4 =	sor.u32 s5, s4  }
0xa: {  	s1 =	sshll.u32 s1, $0x11;
	s30 =	sshrl.u32 s6, $0x1;
	s9 =	sadd.s32 s4, s0  }
0xb: {  	s5 =	ssub.s32 s6, s30;
	s4 =	sadd.s32 $0x2800, s0;
	s0 =	sadd.s32 s31, s2  }
0xc: {  	s5 =	smax.u32 s5, $0x1;
	s6 =	sadd.s32 $0x800, s9;
	s7 =	sadd.s32 $0x1000, s9  }
0xd: {  	s8 =	sadd.s32 $0x1800, s9;
	s9 =	sadd.s32 $0x2000, s9;
	s0 =	sadd.s32 s10, s0  }
0xe: {  	s10 =	sor.u32 s1, s11;
	s11 =	sadd.s32 $0x80, s0;
	s12 =	sadd.s32 $0x88, s0  }
.LBB2_1:
0xf: {  	[tilespmem:s3], [sflag:$0x1] =	stream.linear.gather [hbm4b:s6+s3], $0x200, $0x38;
	[tilespmem:$0x18800] =	vst v63  }
0x10: {  	_ = 	snop  }
0x11: {  	[tilespmem:s13], [sflag:$0x1] =	stream.linear.gather [hbm4b:s7+s3], $0x200, $0x38;
	[tilespmem:$0x18800] =	vst v63  }
.Ltmp0:
0x12: {  	_ = 	snop;
	(pc) =	sbr.rel .LBB2_2-.Ltmp0, $4  }
0x13: {  	s0 =	simm.s32 $0x400;
	s31 =	simm.s32 $0x600;
	s25 =	simm.s32 $0xFFFF0800  }
0x14: {  	[tilespmem:s0], [sflag:$0x1] =	stream.linear.gather [hbm4b:s8+s3], $0x200, $0x38;
	[tilespmem:$0x18800] =	vst v63  }
0x15: {  	s26 =	simm.s32 $0xFFFFFFFE;
	p0 =	por $0x0, $0x0;
	s28 =	simm.s32 $0x0  }
0x16: {  	[tilespmem:s31], [sflag:$0x1] =	stream.linear.gather [hbm4b:s9+s3], $0x200, $0x38;
	[tilespmem:$0x18800] =	vst v63  }
.LBB2_10:
0x17: {  	s28 =	sadd.s32 $0x1, s28  }
0x18: {  	p1 =	sne.s32 s28, $0x4  }
.Ltmp1:
0x19: {  	_ = 	snop;
	(pc) =	sbr.rel @!p1 .LBB2_11-.Ltmp1, $2  }
0x1a: {  	_ =	sdelay $0x2  }
0x1b: {  	s25 =	sadd.s32 $0x8000, s25;
	s26 =	sadd.s32 $0x1, s26;
	p0 =	por !p0, !p0  }
.LBB2_2:
0x1c: {  	p1 =	sne.s32 s28, $0x3  }
.Ltmp2:
0x1d: {  	_ = 	snop;
	(pc) =	sbr.rel @p1 .LBB2_6-.Ltmp2, $2  }
0x1e: {  	_ =	sdelay $0x2  }
0x1f: {  	s0 =	simm.s32 $0x40  }
0x20: {  	_ =	swait.ge [sflag:s17], $0x200  }
0x21: {  	s0 =	sadd.s32 $0xFFFFFFFF, s0;
	[sflag:s17] =	ssyncset.done $0x0  }
.LBB2_4:
0x22: {  	p2 =	sne.s32 s0, $0x1;
	s0 =	sadd.s32 $0xFFFFFFFF, s0;
	[sflag:s17] =	ssyncadd.s32 $0xFFFFFE00  }
.Ltmp3:
0x23: {  	(pc) =	sbr.rel @p2 .LBB2_4-.Ltmp3, $3  }
0x24: {  	_ =	sdelay $0x1  }
0x25: {  	_ =	swait.ge [sflag:s17], $0x200  }
0x26: {  	[sflag:s17] =	ssyncset.done $0x0  }
0x27: {  	[sflag:s17] =	ssyncadd.s32 $0xFFFFFE00  }
.LBB2_6:
0x28: {  	s0 =	smulhi.u32 $0xAAAAAAAB, s28;
	_ =	sdelay $0x1  }
0x29: {  	s0 =	sshrl.u32 s0, $0x1  }
0x2a: {  	p2 =	slt.u32 s28, $0x2;
	s0 =	smul.u32 $0x3, s0  }
.Ltmp4:
0x2b: {  	_ = 	snop;
	(pc) =	sbr.rel @p2 .LBB2_10-.Ltmp4, $4  }
0x2c: {  	s1 =	sshll.u32 s28, $0x9;
	_ =	swait.ge [sflag:s16], $0x200;
	s0 =	ssub.s32 s28, s0  }
0x2d: {  	s1 =	sand.u32 $0x3FFFFE00, s1;
	[sflag:s16] =	ssyncset.done $0x0;
	s14 =	sshll.u32 s0, $0xF  }
0x2e: {  	[sflag:s16] =	ssyncadd.s32 $0xFFFFFE00;
	s0 =	sadd.s32 $0x2, s0;
	s14 =	sor.u32 $0x800, s14  }
0x2f: {  	[tilespmem:s14], [sflag:s0] =	stream.indirect.gather [hbm4b:s4+s13], $0x40, s1, s13, $0xb8;
	[tilespmem:$0x18800] =	vst v63  }
0x30: {  	s0 =	smulhi.u32 $0xAAAAAAAB, s26;
	s1 =	sadd.s32 $0xFFFFFFFE, s28  }
0x31: {  	p1 =	por !p1, !p0;
	s14 =	smulhi.u32 $0xAAAAAAAB, s1  }
0x32: {  	s29 =	simm.s32 $0xFFFFFFFF;
	s30 =	simm.s32 $0x1;
	s0 =	sshrl.u32 s0, $0x1  }
0x33: {  	p1 =	por !p1, !p1;
	s14 =	sshrl.u32 s14, $0x1;
	s0 =	smul.u32 $0xFFFA0000, s0  }
0x34: {  	s30 =	simm.s32 @!p0 $0x0;
	s29 =	simm.s32 @!p1 $0x0;
	s14 =	smul.u32 $0x3, s14  }
0x35: {  	s15 =	sshll.u32 s29, $0xA;
	s29 =	sshll.u32 s30, $0x6  }
0x36: {  	s0 =	sshra.s32 s0, $0x2;
	s1 =	ssub.s32 s1, s14;
	s14 =	sadd.s32 s15, s10  }
0x37: {  	s30 =	sadd.s32 s0, s25;
	s31 =	sadd.s32 $0x2, s1;
	s29 =	sadd.s32 s29, s14  }
0x38: {  	s0 =	simm.s32 $0x800;
	_ =	swait.ge [sflag:s31], $0x8000;
	s14 =	sadd.s32 $0x0, s29  }
0x39: {  	[sflag:s31] =	ssyncset.done $0x0;
	s15 =	sshrl.u32 s14, $0x3;
	s14 =	sadd.s32 $0x0, s30  }
0x3a: {  	[sflag:s31] =	ssyncadd.s32 $0xFFFF8000;
	s31 =	sadd.s32 $0x5, s1;
	s1 =	sadd.s32 s2, s15  }
.LBB2_8:
0x3b: {  	[hbm4b:s1+s18] =	stream.strided.scatter [tilespmem:s14], [sflag:s31], $0x200, s19, s18, $0x38;
	[tilespmem:$0x18800] =	vst v63  }
0x3c: {  	s1 =	smov.u32 s0;
	p1 =	sne.s32 s0, $0x1F800  }
.Ltmp5:
0x3d: {  	s0 =	sadd.s32 $0x800, s0;
	(pc) =	sbr.rel @p1 .LBB2_8-.Ltmp5, $4  }
0x3e: {  	_ = 	snop  }
0x3f: {  	s14 =	sadd.s32 s1, s29  }
0x40: {  	s15 =	sshra.s32 s1, $0x2;
	s14 =	sshrl.u32 s14, $0x3  }
0x41: {  	s1 =	sadd.s32 s2, s14;
	s14 =	sadd.s32 s15, s30  }
.Ltmp6:
0x42: {  	(pc) =	sbr.rel .LBB2_10-.Ltmp6, $2  }
0x43: {  	_ =	sdelay $0x2  }
0x44: {  	[hbm4b:s1+s18] =	stream.strided.scatter [tilespmem:s14], [sflag:s31], $0x200, s19, s18, $0x38;
	[tilespmem:$0x18800] =	vst v63  }
.LBB2_11:
0x45: {  	_ =	swait.ge [sflag:s20], $0x8000  }
0x46: {  	s0 =	simm.s32 $0x10800;
	s25 =	simm.s32 $0x100;
	[sflag:s20] =	ssyncset.done $0x0  }
0x47: {  	s1 =	sadd.s32 $0x0, s11;
	s26 =	simm.s32 $0x10A00;
	[sflag:s20] =	ssyncadd.s32 $0xFFFF8000  }
.LBB2_12:
0x48: {  	[hbm4b:s1+s18] =	stream.strided.scatter [tilespmem:s0], [sflag:$0x7], $0x200, s19, s18, $0x38;
	[tilespmem:$0x18800] =	vst v63  }
0x49: {  	s1 =	smov.u32 s25;
	s0 =	smov.u32 s26;
	p0 =	sne.s32 s25, $0x3F00  }
.Ltmp7:
0x4a: {  	s25 =	sadd.s32 $0x100, s25;
	(pc) =	sbr.rel @p0 .LBB2_12-.Ltmp7, $2  }
0x4b: {  	_ =	sdelay $0x2  }
0x4c: {  	s26 =	sadd.s32 $0x200, s26;
	s1 =	sadd.s32 s1, s11  }
0x4d: {  	[hbm4b:s1+s18] =	stream.strided.scatter [tilespmem:s0], [sflag:$0x7], $0x200, s19, s18, $0x38;
	[tilespmem:$0x18800] =	vst v63  }
0x4e: {  	_ =	swait.ge [sflag:s21], $0x8000  }
0x4f: {  	s0 =	simm.s32 $0x800;
	s31 =	sadd.s32 $0x0, s12;
	[sflag:s21] =	ssyncset.done $0x0  }
0x50: {  	s25 =	simm.s32 $0x40;
	s26 =	simm.s32 $0x100;
	[sflag:s21] =	ssyncadd.s32 $0xFFFF8000  }
0x51: {  	[hbm4b:s31+s25] =	stream.strided.scatter [tilespmem:s0], [sflag:$0x5], $0x200, s19, s25, $0x38;
	[tilespmem:$0x18800] =	vst v63  }
.LBB2_14:
0x52: {  	p0 =	sne.s32 s26, $0x3F00  }
.Ltmp8:
0x53: {  	_ = 	snop;
	(pc) =	sbr.rel @p0 .LBB2_14-.Ltmp8, $4  }
0x54: {  	_ = 	snop  }
0x55: {  	s1 =	sadd.s32 s26, s12;
	s0 =	sadd.s32 $0x200, s0  }
0x56: {  	s26 =	sadd.s32 $0x100, s26  }
0x57: {  	[hbm4b:s1+s25] =	stream.strided.scatter [tilespmem:s0], [sflag:$0x5], $0x200, s19, s25, $0x38;
	[tilespmem:$0x18800] =	vst v63  }
0x58: {  	_ =	swait.ge [sflag:s22], $0x200  }
0x59: {  	s0 =	simm.s32 $0x3F;
	[sflag:s22] =	ssyncset.done $0x0  }
.LBB2_16:
0x5a: {  	p0 =	sne.s32 s0, $0x1;
	s0 =	sadd.s32 $0xFFFFFFFF, s0;
	[sflag:s22] =	ssyncadd.s32 $0xFFFFFE00  }
.Ltmp9:
0x5b: {  	(pc) =	sbr.rel @p0 .LBB2_16-.Ltmp9, $3  }
0x5c: {  	_ =	sdelay $0x1  }
0x5d: {  	_ =	swait.ge [sflag:s22], $0x200  }
0x5e: {  	[sflag:s22] =	ssyncset.done $0x0  }
0x5f: {  	[sflag:s22] =	ssyncadd.s32 $0xFFFFFE00  }
.LBB2_18:
0x60: {  	p0 =	sne.s32 s25, $0x1  }
.Ltmp10:
0x61: {  	_ = 	snop;
	(pc) =	sbr.rel @p0 .LBB2_18-.Ltmp10, $4  }
0x62: {  	_ = 	snop  }
0x63: {  	_ =	swait.ge [sflag:s23], $0x200  }
0x64: {  	[sflag:s23] =	ssyncset.done $0x0  }
0x65: {  	s25 =	sadd.s32 $0xFFFFFFFF, s25;
	[sflag:s23] =	ssyncadd.s32 $0xFFFFFE00  }
0x66: {  	_ =	swait.ge [sflag:s17], $0x200  }
0x67: {  	s0 =	simm.s32 $0x3F;
	[sflag:s17] =	ssyncset.done $0x0  }
.LBB2_20:
0x68: {  	p0 =	sne.s32 s0, $0x1;
	s0 =	sadd.s32 $0xFFFFFFFF, s0;
	[sflag:s17] =	ssyncadd.s32 $0xFFFFFE00  }
.Ltmp11:
0x69: {  	(pc) =	sbr.rel @p0 .LBB2_20-.Ltmp11, $3  }
0x6a: {  	_ =	sdelay $0x1  }
0x6b: {  	_ =	swait.ge [sflag:s17], $0x200  }
0x6c: {  	[sflag:s17] =	ssyncset.done $0x0  }
0x6d: {  	s24 =	sadd.s32 $0x1, s24  }
0x6e: {  	p0 =	sne.s32 s24, s5  }
.Ltmp12:
0x6f: {  	_ = 	snop;
	(pc) =	sbr.rel @p0 .LBB2_1-.Ltmp12, $2  }
0x70: {  	_ =	sdelay $0x2  }
0x71: {  	[sflag:s17] =	ssyncadd.s32 $0xFFFFFE00  }
0x72: {  	_ =	sfence.sel $0x180000  }
0x73: {  	[bflag:$0x0] =	sbarrier.arrive $0xFFFF  }
0x74: {  	_ =	strace $0x90000047  }
0x75: {  	s0 =	stileid.u32;
	[bflag:$0x2] =	sbarrier.arrive $0xFFFF  }
0x76: {  	p0 =	sne.s32 s0, $0x0;
	s0 =	rddreg [dreg:$0x2]  }
0x77: {  	s0 =	sadd.s32 @!p0 $0x100000, s0  }
0x78: {  	[sflag:s0] =	ssyncadd.tile.s32 @!p0 $0x1;
	_ =	shalt  }
.Lfunc_end2:
_tile_overlayer_lowered:
.L_overlay_start_2:
0x79: {  	(tag) =	ssettag $0x2  }
0x7a: {  	s0 =	rddreg [dreg:$0x0];
	s2 =	stileid.u32  }
0x7b: {  	s1 =	rddreg [dreg:$0x1];
	p0 =	sne.s32 s2, $0x0  }
0x7c: {  	s3 =	rddreg [dreg:$0x2];
	[bflag:$0x3] =	sbarrier.arrive $0xFFFF;
	s2 =	simm.s32 @!p0 $0x1C08  }
0x7d: {  	[timem:s3], [sflag:s2] =	dma.local @!p0 [hbm:s0], s1  }
0x7e: {  	s0 =	simm.s32 @!p0 $0x8  }
0x7f: {  	_ =	swait.ge @!p0 [sflag:s0], s1  }
0x80: {  	s1 =	ssub.s32 @!p0 $0x0, s1;
	[sflag:s0] =	ssyncset.done @!p0 $0x0  }
0x81: {  	[sflag:s0] =	ssyncadd.s32 @!p0 s1  }
0x82: {  	[bflag:$0x3] =	sbarrier.arrive $0xFFFF  }
0x83: {  	_ =	shalt  }

</sc_bundles>
